<compile_context>
chip_gen: v7x
topology: tpu7x:2x2x1
jax: 0.10.2.dev20260603
libtpu: 0.0.44.dev20260713+nightly
codegen_flags: <defaults>
</compile_context>

<pallas_src>
import functools

import jax
import jax.numpy as jnp
from jax import lax
from jax.experimental import pallas as pl
from jax.experimental.pallas import tpu as pltpu
from jax.experimental.pallas import tpu_sc as plsc

BATCH = 16384
HIDDEN = 64
NUM_ROWS = 1000000
NUM_CORES = 2
NUM_SUBCORES = 16
NW = NUM_CORES * NUM_SUBCORES
B_PER_W = BATCH // NW
LANES = 16
N_SEM = 4


def _gather_body(tab_u, tab_i, user_ids, item_ids, uout, iout,
                 idx_v, rows_v, *sems):
  wid = lax.axis_index("s") * NUM_CORES + lax.axis_index("c")
  base = wid * B_PER_W
  for tab, ids_hbm, out in ((tab_u, user_ids, uout), (tab_i, item_ids, iout)):
    pltpu.sync_copy(ids_hbm.at[pl.ds(base, B_PER_W)], idx_v)

    def _issue(g, carry, tab=tab):
      ids = idx_v[pl.ds(g * LANES, LANES)]
      for j in range(LANES):
        k = g * LANES + j
        pltpu.async_copy(tab.at[pl.ds(ids[j], 1)],
                         rows_v.at[pl.ds(k, 1)],
                         sems[j % N_SEM])
      return carry

    lax.fori_loop(0, B_PER_W // LANES, _issue, 0)
    per_sem = B_PER_W // N_SEM
    for q in range(N_SEM):
      pltpu.make_async_copy(
          tab.at[pl.ds(0, per_sem)], rows_v.at[pl.ds(0, per_sem)],
          sems[q]).wait()
    pltpu.sync_copy(rows_v, out.at[pl.ds(base, B_PER_W)])


@jax.jit
def _sc_gather(user_ids, item_ids, user_table, item_table):
  mesh = plsc.VectorSubcoreMesh(core_axis_name="c", subcore_axis_name="s")
  f = pl.kernel(
      _gather_body,
      mesh=mesh,
      out_type=(
          jax.ShapeDtypeStruct((BATCH, HIDDEN), jnp.float32),
          jax.ShapeDtypeStruct((BATCH, HIDDEN), jnp.float32),
      ),
      scratch_types=[
          pltpu.VMEM((B_PER_W,), jnp.int32),
          pltpu.VMEM((B_PER_W, HIDDEN), jnp.float32),
      ] + [pltpu.SemaphoreType.DMA] * N_SEM,
      compiler_params=pltpu.CompilerParams(skip_device_barrier=True),
  )
  return f(user_table, item_table, user_ids, item_ids)


def _mlp_body(u_ref, i_ref, w1a_ref, w1b_ref, b1_ref, w2_ref, b2_ref, o_ref):
  u = u_ref[...]
  it = i_ref[...]
  h = jnp.dot(u, w1a_ref[...], preferred_element_type=jnp.float32)
  h = h + jnp.dot(it, w1b_ref[...], preferred_element_type=jnp.float32)
  h = jnp.maximum(h + b1_ref[...], 0.0)
  logits = jnp.sum(h * w2_ref[...], axis=1, keepdims=True) + b2_ref[0, 0]
  o_ref[...] = 1.0 / (1.0 + jnp.exp(-logits))


@jax.jit
def _tc_mlp(u_emb, i_emb, W1, b1, W2, b2):
  w1a = W1[:HIDDEN]
  w1b = W1[HIDDEN:]
  b1r = b1.reshape(1, HIDDEN)
  w2r = W2.reshape(1, HIDDEN)
  b2r = b2.reshape(1, 1)
  RB = 2048
  grid = BATCH // RB
  return pl.pallas_call(
      _mlp_body,
      grid=(grid,),
      in_specs=[
          pl.BlockSpec((RB, HIDDEN), lambda g: (g, 0)),
          pl.BlockSpec((RB, HIDDEN), lambda g: (g, 0)),
          pl.BlockSpec((HIDDEN, HIDDEN), lambda g: (0, 0)),
          pl.BlockSpec((HIDDEN, HIDDEN), lambda g: (0, 0)),
          pl.BlockSpec((1, HIDDEN), lambda g: (0, 0)),
          pl.BlockSpec((1, HIDDEN), lambda g: (0, 0)),
          pl.BlockSpec((1, 1), lambda g: (0, 0)),
      ],
      out_specs=pl.BlockSpec((RB, 1), lambda g: (g, 0)),
      out_shape=jax.ShapeDtypeStruct((BATCH, 1), jnp.float32),
  )(u_emb, i_emb, w1a, w1b, b1r, w2r, b2r)


def kernel(user_ids, item_ids, user_table, item_table, W1, b1, W2, b2):
  u_emb, i_emb = _sc_gather(user_ids, item_ids, user_table, item_table)
  return _tc_mlp(u_emb, i_emb, W1, b1, W2, b2)

# --- scband reference (transcript-rebuilt; emitter-appended) ---
"""Pipeline reference for scband-ncf-5755256176765 (READ-ONLY COPY).

The authoritative reference and input builder live on the scoring server;
editing this copy changes nothing except your own understanding.
"""

import jax, jax.numpy as jnp
import numpy as np

NUM_USERS = 1000000
NUM_ITEMS = 1000000
HIDDEN = 64
BATCH = 16384


def setup_inputs(seed: int = 0) -> dict:
    key = jax.random.key(seed)
    k1, k2, k3, k4, k5, k6 = jax.random.split(key, 6)
    user_ids = jax.random.randint(k1, (BATCH,), 0, NUM_USERS, dtype=jnp.int64 if jax.config.jax_enable_x64 else jnp.int32)
    item_ids = jax.random.randint(k2, (BATCH,), 0, NUM_ITEMS, dtype=jnp.int64 if jax.config.jax_enable_x64 else jnp.int32)
    user_table = jax.random.normal(k3, (NUM_USERS, HIDDEN), dtype=jnp.float32) * 0.02
    item_table = jax.random.normal(k4, (NUM_ITEMS, HIDDEN), dtype=jnp.float32) * 0.02
    W1 = jax.random.normal(k5, (2 * HIDDEN, HIDDEN), dtype=jnp.float32) * (1.0 / np.sqrt(2 * HIDDEN))
    b1 = jnp.zeros((HIDDEN,), dtype=jnp.float32)
    W2 = jax.random.normal(k6, (HIDDEN, 1), dtype=jnp.float32) * (1.0 / np.sqrt(HIDDEN))
    b2 = jnp.zeros((1,), dtype=jnp.float32)
    return {
        "user_ids": user_ids,
        "item_ids": item_ids,
        "user_table": user_table,
        "item_table": item_table,
        "W1": W1,
        "b1": b1,
        "W2": W2,
        "b2": b2,
    }


def reference(user_ids, item_ids, user_table, item_table, W1, b1, W2, b2):
    user_emb = jnp.take(user_table, user_ids, axis=0)
    item_emb = jnp.take(item_table, item_ids, axis=0)
    combined = jnp.concatenate([user_emb, item_emb], axis=1)
    h = jnp.maximum(combined @ W1 + b1, 0.0)
    logits = h @ W2 + b2
    return jax.nn.sigmoid(logits)

if __name__ == "__main__":
    import jax
    _d = setup_inputs()
    print(jax.jit(kernel)(*tuple(_d.values())))

</pallas_src>

<mosaic_0001>
#map = affine_map<(d0, d1) -> (0, 0)>
#map1 = affine_map<(d0, d1) -> (0)>
module attributes {stable_mosaic.version = 14 : i64} {
  func.func @_gather_body(%arg0: i32, %arg1: i32, %arg2: memref<1000000x64xf32, #tpu.memory_space<hbm>>, %arg3: memref<1000000x64xf32, #tpu.memory_space<hbm>>, %arg4: memref<16384xi32, #tpu.memory_space<hbm>>, %arg5: memref<16384xi32, #tpu.memory_space<hbm>>, %arg6: memref<16384x64xf32, #tpu.memory_space<hbm>>, %arg7: memref<16384x64xf32, #tpu.memory_space<hbm>>, %arg8: memref<512xi32, #tpu.memory_space<vmem>>, %arg9: memref<512x64xf32, #tpu.memory_space<vmem>>, %arg10: memref<!tpu.dma_semaphore, #tpu.memory_space<semaphore_mem>>, %arg11: memref<!tpu.dma_semaphore, #tpu.memory_space<semaphore_mem>>, %arg12: memref<!tpu.dma_semaphore, #tpu.memory_space<semaphore_mem>>, %arg13: memref<!tpu.dma_semaphore, #tpu.memory_space<semaphore_mem>>) attributes {dimension_semantics = [#tpu.dimension_semantics<core_parallel>, #tpu.dimension_semantics<subcore_parallel>], iteration_bounds = array<i64: 2, 16>, scalar_prefetch = 0 : i64, scratch_operands = 6 : i64, tpu.core_type = #tpu.core_type<sc_vector_subcore>, window_params = [{transform_indices = #map}, {transform_indices = #map}, {transform_indices = #map1}, {transform_indices = #map1}, {transform_indices = #map}, {transform_indices = #map}]} {
    %mul3A = arith.constant 2 : i32
    %mul3A_0 = arith.muli %arg1, %mul3A : i32
    %add3A = arith.addi %mul3A_0, %arg0 : i32
    %mul3A_1 = arith.constant 512 : i32
    %mul3A_2 = arith.muli %add3A, %mul3A_1 : i32
    "tpu.region"() ({
      %run_scoped3A = tpu.sem_alloc : memref<!tpu.dma_semaphore, #tpu.memory_space<semaphore_mem>>
      %dma_start3A = tpu.memref_slice %arg4[%mul3A_2] : memref<16384xi32, #tpu.memory_space<hbm>> -> memref<512xi32, #tpu.memory_space<hbm>>
      %dma_start3A_109 = tpu.memref_slice %arg4[%mul3A_2] : memref<16384xi32, #tpu.memory_space<hbm>> -> memref<512xi32, #tpu.memory_space<hbm>>
      tpu.enqueue_dma source(%dma_start3A_109 : memref<512xi32, #tpu.memory_space<hbm>>) target(%arg8 : memref<512xi32, #tpu.memory_space<vmem>>) target_semaphore(%run_scoped3A : memref<!tpu.dma_semaphore, #tpu.memory_space<semaphore_mem>>)
      %dma_wait3A_110 = tpu.memref_slice %arg4[%mul3A_2] : memref<16384xi32, #tpu.memory_space<hbm>> -> memref<512xi32, #tpu.memory_space<hbm>>
      %dma_wait3A_111 = tpu.memref_slice %arg4[%mul3A_2] : memref<16384xi32, #tpu.memory_space<hbm>> -> memref<512xi32, #tpu.memory_space<hbm>>
      tpu.wait_dma2 semaphore(%run_scoped3A : memref<!tpu.dma_semaphore, #tpu.memory_space<semaphore_mem>>) src(%dma_wait3A_111 : memref<512xi32, #tpu.memory_space<hbm>>) dst(%arg8 : memref<512xi32, #tpu.memory_space<vmem>>)
      tpu.yield
    }) : () -> ()
    %scan3A = arith.constant 0 : i32
    %scan3A_3 = arith.constant 0 : i32
    %scan3A_4 = arith.constant 32 : i32
    %scan3A_5 = arith.addi %scan3A_3, %scan3A_4 : i32
    %scan3A_6 = arith.constant 1 : i32
    scf.for %scan3A_109 = %scan3A_3 to %scan3A_5 step %scan3A_6  : i32 {
      %mul3A_110 = arith.constant 16 : i32
      %mul3A_111 = arith.muli %scan3A_109, %mul3A_110 : i32
      %get3A = arith.index_cast %mul3A_111 : i32 to index
      %get3A_112 = tpu.vector_load %arg8[%get3A] {strides = array<i32>} : memref<512xi32, #tpu.memory_space<vmem>>, vector<16xi32>,
      %get3A_113 = vector.shape_cast %get3A_112 : vector<16xi32> to vector<16xi32>
      %mul3A_114 = arith.constant 16 : i32
      %mul3A_115 = arith.muli %scan3A_109, %mul3A_114 : i32
      %add3A_116 = arith.constant 0 : i32
      %add3A_117 = arith.addi %mul3A_115, %add3A_116 : i32
      %slice3A = vector.extract_strided_slice %get3A_113 {offsets = [0], sizes = [1], strides = [1]} : vector<16xi32> to vector<1xi32>
      %squeeze3A = vector.extract %slice3A[0] : i32 from vector<1xi32>
      %dma_start3A = arith.constant 0 : i32
      %dma_start3A_118 = tpu.memref_slice %arg9[%add3A_117, %dma_start3A] : memref<512x64xf32, #tpu.memory_space<vmem>> -> memref<1x64xf32, #tpu.memory_space<vmem>>
      %dma_start3A_119 = arith.constant 0 : i32
      %dma_start3A_120 = tpu.memref_slice %arg2[%squeeze3A, %dma_start3A_119] : memref<1000000x64xf32, #tpu.memory_space<hbm>> -> memref<1x64xf32, #tpu.memory_space<hbm>>
      %dma_start3A_121 = arith.constant 0 : i32
      %dma_start3A_122 = tpu.memref_slice %arg9[%add3A_117, %dma_start3A_121] : memref<512x64xf32, #tpu.memory_space<vmem>> -> memref<1x64xf32, #tpu.memory_space<vmem>>
      %dma_start3A_123 = arith.constant 0 : i32
      %dma_start3A_124 = tpu.memref_slice %arg2[%squeeze3A, %dma_start3A_123] : memref<1000000x64xf32, #tpu.memory_space<hbm>> -> memref<1x64xf32, #tpu.memory_space<hbm>>
      tpu.enqueue_dma source(%dma_start3A_124 : memref<1x64xf32, #tpu.memory_space<hbm>>) target(%dma_start3A_122 : memref<1x64xf32, #tpu.memory_space<vmem>>) target_semaphore(%arg10 : memref<!tpu.dma_semaphore, #tpu.memory_space<semaphore_mem>>)
      %mul3A_125 = arith.constant 16 : i32
      %mul3A_126 = arith.muli %scan3A_109, %mul3A_125 : i32
      %add3A_127 = arith.constant 1 : i32
      %add3A_128 = arith.addi %mul3A_126, %add3A_127 : i32
      %slice3A_129 = vector.extract_strided_slice %get3A_113 {offsets = [1], sizes = [1], strides = [1]} : vector<16xi32> to vector<1xi32>
      %squeeze3A_130 = vector.extract %slice3A_129[0] : i32 from vector<1xi32>
      %dma_start3A_131 = arith.constant 0 : i32
      %dma_start3A_132 = tpu.memref_slice %arg9[%add3A_128, %dma_start3A_131] : memref<512x64xf32, #tpu.memory_space<vmem>> -> memref<1x64xf32, #tpu.memory_space<vmem>>
      %dma_start3A_133 = arith.constant 0 : i32
      %dma_start3A_134 = tpu.memref_slice %arg2[%squeeze3A_130, %dma_start3A_133] : memref<1000000x64xf32, #tpu.memory_space<hbm>> -> memref<1x64xf32, #tpu.memory_space<hbm>>
      %dma_start3A_135 = arith.constant 0 : i32
      %dma_start3A_136 = tpu.memref_slice %arg9[%add3A_128, %dma_start3A_135] : memref<512x64xf32, #tpu.memory_space<vmem>> -> memref<1x64xf32, #tpu.memory_space<vmem>>
      %dma_start3A_137 = arith.constant 0 : i32
      %dma_start3A_138 = tpu.memref_slice %arg2[%squeeze3A_130, %dma_start3A_137] : memref<1000000x64xf32, #tpu.memory_space<hbm>> -> memref<1x64xf32, #tpu.memory_space<hbm>>
      tpu.enqueue_dma source(%dma_start3A_138 : memref<1x64xf32, #tpu.memory_space<hbm>>) target(%dma_start3A_136 : memref<1x64xf32, #tpu.memory_space<vmem>>) target_semaphore(%arg11 : memref<!tpu.dma_semaphore, #tpu.memory_space<semaphore_mem>>)
      %mul3A_139 = arith.constant 16 : i32
      %mul3A_140 = arith.muli %scan3A_109, %mul3A_139 : i32
      %add3A_141 = arith.constant 2 : i32
      %add3A_142 = arith.addi %mul3A_140, %add3A_141 : i32
      %slice3A_143 = vector.extract_strided_slice %get3A_113 {offsets = [2], sizes = [1], strides = [1]} : vector<16xi32> to vector<1xi32>
      %squeeze3A_144 = vector.extract %slice3A_143[0] : i32 from vector<1xi32>
      %dma_start3A_145 = arith.constant 0 : i32
      %dma_start3A_146 = tpu.memref_slice %arg9[%add3A_142, %dma_start3A_145] : memref<512x64xf32, #tpu.memory_space<vmem>> -> memref<1x64xf32, #tpu.memory_space<vmem>>
      %dma_start3A_147 = arith.constant 0 : i32
      %dma_start3A_148 = tpu.memref_slice %arg2[%squeeze3A_144, %dma_start3A_147] : memref<1000000x64xf32, #tpu.memory_space<hbm>> -> memref<1x64xf32, #tpu.memory_space<hbm>>
      %dma_start3A_149 = arith.constant 0 : i32
      %dma_start3A_150 = tpu.memref_slice %arg9[%add3A_142, %dma_start3A_149] : memref<512x64xf32, #tpu.memory_space<vmem>> -> memref<1x64xf32, #tpu.memory_space<vmem>>
      %dma_start3A_151 = arith.constant 0 : i32
      %dma_start3A_152 = tpu.memref_slice %arg2[%squeeze3A_144, %dma_start3A_151] : memref<1000000x64xf32, #tpu.memory_space<hbm>> -> memref<1x64xf32, #tpu.memory_space<hbm>>
      tpu.enqueue_dma source(%dma_start3A_152 : memref<1x64xf32, #tpu.memory_space<hbm>>) target(%dma_start3A_150 : memref<1x64xf32, #tpu.memory_space<vmem>>) target_semaphore(%arg12 : memref<!tpu.dma_semaphore, #tpu.memory_space<semaphore_mem>>)
      %mul3A_153 = arith.constant 16 : i32
      %mul3A_154 = arith.muli %scan3A_109, %mul3A_153 : i32
      %add3A_155 = arith.constant 3 : i32
      %add3A_156 = arith.addi %mul3A_154, %add3A_155 : i32
      %slice3A_157 = vector.extract_strided_slice %get3A_113 {offsets = [3], sizes = [1], strides = [1]} : vector<16xi32> to vector<1xi32>
      %squeeze3A_158 = vector.extract %slice3A_157[0] : i32 from vector<1xi32>
      %dma_start3A_159 = arith.constant 0 : i32
      %dma_start3A_160 = tpu.memref_slice %arg9[%add3A_156, %dma_start3A_159] : memref<512x64xf32, #tpu.memory_space<vmem>> -> memref<1x64xf32, #tpu.memory_space<vmem>>
      %dma_start3A_161 = arith.constant 0 : i32
      %dma_start3A_162 = tpu.memref_slice %arg2[%squeeze3A_158, %dma_start3A_161] : memref<1000000x64xf32, #tpu.memory_space<hbm>> -> memref<1x64xf32, #tpu.memory_space<hbm>>
      %dma_start3A_163 = arith.constant 0 : i32
      %dma_start3A_164 = tpu.memref_slice %arg9[%add3A_156, %dma_start3A_163] : memref<512x64xf32, #tpu.memory_space<vmem>> -> memref<1x64xf32, #tpu.memory_space<vmem>>
      %dma_start3A_165 = arith.constant 0 : i32
      %dma_start3A_166 = tpu.memref_slice %arg2[%squeeze3A_158, %dma_start3A_165] : memref<1000000x64xf32, #tpu.memory_space<hbm>> -> memref<1x64xf32, #tpu.memory_space<hbm>>
      tpu.enqueue_dma source(%dma_start3A_166 : memref<1x64xf32, #tpu.memory_space<hbm>>) target(%dma_start3A_164 : memref<1x64xf32, #tpu.memory_space<vmem>>) target_semaphore(%arg13 : memref<!tpu.dma_semaphore, #tpu.memory_space<semaphore_mem>>)
      %mul3A_167 = arith.constant 16 : i32
      %mul3A_168 = arith.muli %scan3A_109, %mul3A_167 : i32
      %add3A_169 = arith.constant 4 : i32
      %add3A_170 = arith.addi %mul3A_168, %add3A_169 : i32
      %slice3A_171 = vector.extract_strided_slice %get3A_113 {offsets = [4], sizes = [1], strides = [1]} : vector<16xi32> to vector<1xi32>
      %squeeze3A_172 = vector.extract %slice3A_171[0] : i32 from vector<1xi32>
      %dma_start3A_173 = arith.constant 0 : i32
      %dma_start3A_174 = tpu.memref_slice %arg9[%add3A_170, %dma_start3A_173] : memref<512x64xf32, #tpu.memory_space<vmem>> -> memref<1x64xf32, #tpu.memory_space<vmem>>
      %dma_start3A_175 = arith.constant 0 : i32
      %dma_start3A_176 = tpu.memref_slice %arg2[%squeeze3A_172, %dma_start3A_175] : memref<1000000x64xf32, #tpu.memory_space<hbm>> -> memref<1x64xf32, #tpu.memory_space<hbm>>
      %dma_start3A_177 = arith.constant 0 : i32
      %dma_start3A_178 = tpu.memref_slice %arg9[%add3A_170, %dma_start3A_177] : memref<512x64xf32, #tpu.memory_space<vmem>> -> memref<1x64xf32, #tpu.memory_space<vmem>>
      %dma_start3A_179 = arith.constant 0 : i32
      %dma_start3A_180 = tpu.memref_slice %arg2[%squeeze3A_172, %dma_start3A_179] : memref<1000000x64xf32, #tpu.memory_space<hbm>> -> memref<1x64xf32, #tpu.memory_space<hbm>>
      tpu.enqueue_dma source(%dma_start3A_180 : memref<1x64xf32, #tpu.memory_space<hbm>>) target(%dma_start3A_178 : memref<1x64xf32, #tpu.memory_space<vmem>>) target_semaphore(%arg10 : memref<!tpu.dma_semaphore, #tpu.memory_space<semaphore_mem>>)
      %mul3A_181 = arith.constant 16 : i32
      %mul3A_182 = arith.muli %scan3A_109, %mul3A_181 : i32
      %add3A_183 = arith.constant 5 : i32
      %add3A_184 = arith.addi %mul3A_182, %add3A_183 : i32
      %slice3A_185 = vector.extract_strided_slice %get3A_113 {offsets = [5], sizes = [1], strides = [1]} : vector<16xi32> to vector<1xi32>
      %squeeze3A_186 = vector.extract %slice3A_185[0] : i32 from vector<1xi32>
      %dma_start3A_187 = arith.constant 0 : i32
      %dma_start3A_188 = tpu.memref_slice %arg9[%add3A_184, %dma_start3A_187] : memref<512x64xf32, #tpu.memory_space<vmem>> -> memref<1x64xf32, #tpu.memory_space<vmem>>
      %dma_start3A_189 = arith.constant 0 : i32
      %dma_start3A_190 = tpu.memref_slice %arg2[%squeeze3A_186, %dma_start3A_189] : memref<1000000x64xf32, #tpu.memory_space<hbm>> -> memref<1x64xf32, #tpu.memory_space<hbm>>
      %dma_start3A_191 = arith.constant 0 : i32
      %dma_start3A_192 = tpu.memref_slice %arg9[%add3A_184, %dma_start3A_191] : memref<512x64xf32, #tpu.memory_space<vmem>> -> memref<1x64xf32, #tpu.memory_space<vmem>>
      %dma_start3A_193 = arith.constant 0 : i32
      %dma_start3A_194 = tpu.memref_slice %arg2[%squeeze3A_186, %dma_start3A_193] : memref<1000000x64xf32, #tpu.memory_space<hbm>> -> memref<1x64xf32, #tpu.memory_space<hbm>>
      tpu.enqueue_dma source(%dma_start3A_194 : memref<1x64xf32, #tpu.memory_space<hbm>>) target(%dma_start3A_192 : memref<1x64xf32, #tpu.memory_space<vmem>>) target_semaphore(%arg11 : memref<!tpu.dma_semaphore, #tpu.memory_space<semaphore_mem>>)
      %mul3A_195 = arith.constant 16 : i32
      %mul3A_196 = arith.muli %scan3A_109, %mul3A_195 : i32
      %add3A_197 = arith.constant 6 : i32
      %add3A_198 = arith.addi %mul3A_196, %add3A_197 : i32
      %slice3A_199 = vector.extract_strided_slice %get3A_113 {offsets = [6], sizes = [1], strides = [1]} : vector<16xi32> to vector<1xi32>
      %squeeze3A_200 = vector.extract %slice3A_199[0] : i32 from vector<1xi32>
      %dma_start3A_201 = arith.constant 0 : i32
      %dma_start3A_202 = tpu.memref_slice %arg9[%add3A_198, %dma_start3A_201] : memref<512x64xf32, #tpu.memory_space<vmem>> -> memref<1x64xf32, #tpu.memory_space<vmem>>
      %dma_start3A_203 = arith.constant 0 : i32
      %dma_start3A_204 = tpu.memref_slice %arg2[%squeeze3A_200, %dma_start3A_203] : memref<1000000x64xf32, #tpu.memory_space<hbm>> -> memref<1x64xf32, #tpu.memory_space<hbm>>
      %dma_start3A_205 = arith.constant 0 : i32
      %dma_start3A_206 = tpu.memref_slice %arg9[%add3A_198, %dma_start3A_205] : memref<512x64xf32, #tpu.memory_space<vmem>> -> memref<1x64xf32, #tpu.memory_space<vmem>>
      %dma_start3A_207 = arith.constant 0 : i32
      %dma_start3A_208 = tpu.memref_slice %arg2[%squeeze3A_200, %dma_start3A_207] : memref<1000000x64xf32, #tpu.memory_space<hbm>> -> memref<1x64xf32, #tpu.memory_space<hbm>>
      tpu.enqueue_dma source(%dma_start3A_208 : memref<1x64xf32, #tpu.memory_space<hbm>>) target(%dma_start3A_206 : memref<1x64xf32, #tpu.memory_space<vmem>>) target_semaphore(%arg12 : memref<!tpu.dma_semaphore, #tpu.memory_space<semaphore_mem>>)
      %mul3A_209 = arith.constant 16 : i32
      %mul3A_210 = arith.muli %scan3A_109, %mul3A_209 : i32
      %add3A_211 = arith.constant 7 : i32
      %add3A_212 = arith.addi %mul3A_210, %add3A_211 : i32
      %slice3A_213 = vector.extract_strided_slice %get3A_113 {offsets = [7], sizes = [1], strides = [1]} : vector<16xi32> to vector<1xi32>
      %squeeze3A_214 = vector.extract %slice3A_213[0] : i32 from vector<1xi32>
      %dma_start3A_215 = arith.constant 0 : i32
      %dma_start3A_216 = tpu.memref_slice %arg9[%add3A_212, %dma_start3A_215] : memref<512x64xf32, #tpu.memory_space<vmem>> -> memref<1x64xf32, #tpu.memory_space<vmem>>
      %dma_start3A_217 = arith.constant 0 : i32
      %dma_start3A_218 = tpu.memref_slice %arg2[%squeeze3A_214, %dma_start3A_217] : memref<1000000x64xf32, #tpu.memory_space<hbm>> -> memref<1x64xf32, #tpu.memory_space<hbm>>
      %dma_start3A_219 = arith.constant 0 : i32
      %dma_start3A_220 = tpu.memref_slice %arg9[%add3A_212, %dma_start3A_219] : memref<512x64xf32, #tpu.memory_space<vmem>> -> memref<1x64xf32, #tpu.memory_space<vmem>>
      %dma_start3A_221 = arith.constant 0 : i32
      %dma_start3A_222 = tpu.memref_slice %arg2[%squeeze3A_214, %dma_start3A_221] : memref<1000000x64xf32, #tpu.memory_space<hbm>> -> memref<1x64xf32, #tpu.memory_space<hbm>>
      tpu.enqueue_dma source(%dma_start3A_222 : memref<1x64xf32, #tpu.memory_space<hbm>>) target(%dma_start3A_220 : memref<1x64xf32, #tpu.memory_space<vmem>>) target_semaphore(%arg13 : memref<!tpu.dma_semaphore, #tpu.memory_space<semaphore_mem>>)
      %mul3A_223 = arith.constant 16 : i32
      %mul3A_224 = arith.muli %scan3A_109, %mul3A_223 : i32
      %add3A_225 = arith.constant 8 : i32
      %add3A_226 = arith.addi %mul3A_224, %add3A_225 : i32
      %slice3A_227 = vector.extract_strided_slice %get3A_113 {offsets = [8], sizes = [1], strides = [1]} : vector<16xi32> to vector<1xi32>
      %squeeze3A_228 = vector.extract %slice3A_227[0] : i32 from vector<1xi32>
      %dma_start3A_229 = arith.constant 0 : i32
      %dma_start3A_230 = tpu.memref_slice %arg9[%add3A_226, %dma_start3A_229] : memref<512x64xf32, #tpu.memory_space<vmem>> -> memref<1x64xf32, #tpu.memory_space<vmem>>
      %dma_start3A_231 = arith.constant 0 : i32
      %dma_start3A_232 = tpu.memref_slice %arg2[%squeeze3A_228, %dma_start3A_231] : memref<1000000x64xf32, #tpu.memory_space<hbm>> -> memref<1x64xf32, #tpu.memory_space<hbm>>
      %dma_start3A_233 = arith.constant 0 : i32
      %dma_start3A_234 = tpu.memref_slice %arg9[%add3A_226, %dma_start3A_233] : memref<512x64xf32, #tpu.memory_space<vmem>> -> memref<1x64xf32, #tpu.memory_space<vmem>>
      %dma_start3A_235 = arith.constant 0 : i32
      %dma_start3A_236 = tpu.memref_slice %arg2[%squeeze3A_228, %dma_start3A_235] : memref<1000000x64xf32, #tpu.memory_space<hbm>> -> memref<1x64xf32, #tpu.memory_space<hbm>>
      tpu.enqueue_dma source(%dma_start3A_236 : memref<1x64xf32, #tpu.memory_space<hbm>>) target(%dma_start3A_234 : memref<1x64xf32, #tpu.memory_space<vmem>>) target_semaphore(%arg10 : memref<!tpu.dma_semaphore, #tpu.memory_space<semaphore_mem>>)
      %mul3A_237 = arith.constant 16 : i32
      %mul3A_238 = arith.muli %scan3A_109, %mul3A_237 : i32
      %add3A_239 = arith.constant 9 : i32
      %add3A_240 = arith.addi %mul3A_238, %add3A_239 : i32
      %slice3A_241 = vector.extract_strided_slice %get3A_113 {offsets = [9], sizes = [1], strides = [1]} : vector<16xi32> to vector<1xi32>
      %squeeze3A_242 = vector.extract %slice3A_241[0] : i32 from vector<1xi32>
      %dma_start3A_243 = arith.constant 0 : i32
      %dma_start3A_244 = tpu.memref_slice %arg9[%add3A_240, %dma_start3A_243] : memref<512x64xf32, #tpu.memory_space<vmem>> -> memref<1x64xf32, #tpu.memory_space<vmem>>
      %dma_start3A_245 = arith.constant 0 : i32
      %dma_start3A_246 = tpu.memref_slice %arg2[%squeeze3A_242, %dma_start3A_245] : memref<1000000x64xf32, #tpu.memory_space<hbm>> -> memref<1x64xf32, #tpu.memory_space<hbm>>
      %dma_start3A_247 = arith.constant 0 : i32
      %dma_start3A_248 = tpu.memref_slice %arg9[%add3A_240, %dma_start3A_247] : memref<512x64xf32, #tpu.memory_space<vmem>> -> memref<1x64xf32, #tpu.memory_space<vmem>>
      %dma_start3A_249 = arith.constant 0 : i32
      %dma_start3A_250 = tpu.memref_slice %arg2[%squeeze3A_242, %dma_start3A_249] : memref<1000000x64xf32, #tpu.memory_space<hbm>> -> memref<1x64xf32, #tpu.memory_space<hbm>>
      tpu.enqueue_dma source(%dma_start3A_250 : memref<1x64xf32, #tpu.memory_space<hbm>>) target(%dma_start3A_248 : memref<1x64xf32, #tpu.memory_space<vmem>>) target_semaphore(%arg11 : memref<!tpu.dma_semaphore, #tpu.memory_space<semaphore_mem>>)
      %mul3A_251 = arith.constant 16 : i32
      %mul3A_252 = arith.muli %scan3A_109, %mul3A_251 : i32
      %add3A_253 = arith.constant 10 : i32
      %add3A_254 = arith.addi %mul3A_252, %add3A_253 : i32
      %slice3A_255 = vector.extract_strided_slice %get3A_113 {offsets = [10], sizes = [1], strides = [1]} : vector<16xi32> to vector<1xi32>
      %squeeze3A_256 = vector.extract %slice3A_255[0] : i32 from vector<1xi32>
      %dma_start3A_257 = arith.constant 0 : i32
      %dma_start3A_258 = tpu.memref_slice %arg9[%add3A_254, %dma_start3A_257] : memref<512x64xf32, #tpu.memory_space<vmem>> -> memref<1x64xf32, #tpu.memory_space<vmem>>
      %dma_start3A_259 = arith.constant 0 : i32
      %dma_start3A_260 = tpu.memref_slice %arg2[%squeeze3A_256, %dma_start3A_259] : memref<1000000x64xf32, #tpu.memory_space<hbm>> -> memref<1x64xf32, #tpu.memory_space<hbm>>
      %dma_start3A_261 = arith.constant 0 : i32
      %dma_start3A_262 = tpu.memref_slice %arg9[%add3A_254, %dma_start3A_261] : memref<512x64xf32, #tpu.memory_space<vmem>> -> memref<1x64xf32, #tpu.memory_space<vmem>>
      %dma_start3A_263 = arith.constant 0 : i32
      %dma_start3A_264 = tpu.memref_slice %arg2[%squeeze3A_256, %dma_start3A_263] : memref<1000000x64xf32, #tpu.memory_space<hbm>> -> memref<1x64xf32, #tpu.memory_space<hbm>>
      tpu.enqueue_dma source(%dma_start3A_264 : memref<1x64xf32, #tpu.memory_space<hbm>>) target(%dma_start3A_262 : memref<1x64xf32, #tpu.memory_space<vmem>>) target_semaphore(%arg12 : memref<!tpu.dma_semaphore, #tpu.memory_space<semaphore_mem>>)
      %mul3A_265 = arith.constant 16 : i32
      %mul3A_266 = arith.muli %scan3A_109, %mul3A_265 : i32
      %add3A_267 = arith.constant 11 : i32
      %add3A_268 = arith.addi %mul3A_266, %add3A_267 : i32
      %slice3A_269 = vector.extract_strided_slice %get3A_113 {offsets = [11], sizes = [1], strides = [1]} : vector<16xi32> to vector<1xi32>
      %squeeze3A_270 = vector.extract %slice3A_269[0] : i32 from vector<1xi32>
      %dma_start3A_271 = arith.constant 0 : i32
      %dma_start3A_272 = tpu.memref_slice %arg9[%add3A_268, %dma_start3A_271] : memref<512x64xf32, #tpu.memory_space<vmem>> -> memref<1x64xf32, #tpu.memory_space<vmem>>
      %dma_start3A_273 = arith.constant 0 : i32
      %dma_start3A_274 = tpu.memref_slice %arg2[%squeeze3A_270, %dma_start3A_273] : memref<1000000x64xf32, #tpu.memory_space<hbm>> -> memref<1x64xf32, #tpu.memory_space<hbm>>
      %dma_start3A_275 = arith.constant 0 : i32
      %dma_start3A_276 = tpu.memref_slice %arg9[%add3A_268, %dma_start3A_275] : memref<512x64xf32, #tpu.memory_space<vmem>> -> memref<1x64xf32, #tpu.memory_space<vmem>>
      %dma_start3A_277 = arith.constant 0 : i32
      %dma_start3A_278 = tpu.memref_slice %arg2[%squeeze3A_270, %dma_start3A_277] : memref<1000000x64xf32, #tpu.memory_space<hbm>> -> memref<1x64xf32, #tpu.memory_space<hbm>>
      tpu.enqueue_dma source(%dma_start3A_278 : memref<1x64xf32, #tpu.memory_space<hbm>>) target(%dma_start3A_276 : memref<1x64xf32, #tpu.memory_space<vmem>>) target_semaphore(%arg13 : memref<!tpu.dma_semaphore, #tpu.memory_space<semaphore_mem>>)
      %mul3A_279 = arith.constant 16 : i32
      %mul3A_280 = arith.muli %scan3A_109, %mul3A_279 : i32
      %add3A_281 = arith.constant 12 : i32
      %add3A_282 = arith.addi %mul3A_280, %add3A_281 : i32
      %slice3A_283 = vector.extract_strided_slice %get3A_113 {offsets = [12], sizes = [1], strides = [1]} : vector<16xi32> to vector<1xi32>
      %squeeze3A_284 = vector.extract %slice3A_283[0] : i32 from vector<1xi32>
      %dma_start3A_285 = arith.constant 0 : i32
      %dma_start3A_286 = tpu.memref_slice %arg9[%add3A_282, %dma_start3A_285] : memref<512x64xf32, #tpu.memory_space<vmem>> -> memref<1x64xf32, #tpu.memory_space<vmem>>
      %dma_start3A_287 = arith.constant 0 : i32
      %dma_start3A_288 = tpu.memref_slice %arg2[%squeeze3A_284, %dma_start3A_287] : memref<1000000x64xf32, #tpu.memory_space<hbm>> -> memref<1x64xf32, #tpu.memory_space<hbm>>
      %dma_start3A_289 = arith.constant 0 : i32
      %dma_start3A_290 = tpu.memref_slice %arg9[%add3A_282, %dma_start3A_289] : memref<512x64xf32, #tpu.memory_space<vmem>> -> memref<1x64xf32, #tpu.memory_space<vmem>>
      %dma_start3A_291 = arith.constant 0 : i32
      %dma_start3A_292 = tpu.memref_slice %arg2[%squeeze3A_284, %dma_start3A_291] : memref<1000000x64xf32, #tpu.memory_space<hbm>> -> memref<1x64xf32, #tpu.memory_space<hbm>>
      tpu.enqueue_dma source(%dma_start3A_292 : memref<1x64xf32, #tpu.memory_space<hbm>>) target(%dma_start3A_290 : memref<1x64xf32, #tpu.memory_space<vmem>>) target_semaphore(%arg10 : memref<!tpu.dma_semaphore, #tpu.memory_space<semaphore_mem>>)
      %mul3A_293 = arith.constant 16 : i32
      %mul3A_294 = arith.muli %scan3A_109, %mul3A_293 : i32
      %add3A_295 = arith.constant 13 : i32
      %add3A_296 = arith.addi %mul3A_294, %add3A_295 : i32
      %slice3A_297 = vector.extract_strided_slice %get3A_113 {offsets = [13], sizes = [1], strides = [1]} : vector<16xi32> to vector<1xi32>
      %squeeze3A_298 = vector.extract %slice3A_297[0] : i32 from vector<1xi32>
      %dma_start3A_299 = arith.constant 0 : i32
      %dma_start3A_300 = tpu.memref_slice %arg9[%add3A_296, %dma_start3A_299] : memref<512x64xf32, #tpu.memory_space<vmem>> -> memref<1x64xf32, #tpu.memory_space<vmem>>
      %dma_start3A_301 = arith.constant 0 : i32
      %dma_start3A_302 = tpu.memref_slice %arg2[%squeeze3A_298, %dma_start3A_301] : memref<1000000x64xf32, #tpu.memory_space<hbm>> -> memref<1x64xf32, #tpu.memory_space<hbm>>
      %dma_start3A_303 = arith.constant 0 : i32
      %dma_start3A_304 = tpu.memref_slice %arg9[%add3A_296, %dma_start3A_303] : memref<512x64xf32, #tpu.memory_space<vmem>> -> memref<1x64xf32, #tpu.memory_space<vmem>>
      %dma_start3A_305 = arith.constant 0 : i32
      %dma_start3A_306 = tpu.memref_slice %arg2[%squeeze3A_298, %dma_start3A_305] : memref<1000000x64xf32, #tpu.memory_space<hbm>> -> memref<1x64xf32, #tpu.memory_space<hbm>>
      tpu.enqueue_dma source(%dma_start3A_306 : memref<1x64xf32, #tpu.memory_space<hbm>>) target(%dma_start3A_304 : memref<1x64xf32, #tpu.memory_space<vmem>>) target_semaphore(%arg11 : memref<!tpu.dma_semaphore, #tpu.memory_space<semaphore_mem>>)
      %mul3A_307 = arith.constant 16 : i32
      %mul3A_308 = arith.muli %scan3A_109, %mul3A_307 : i32
      %add3A_309 = arith.constant 14 : i32
      %add3A_310 = arith.addi %mul3A_308, %add3A_309 : i32
      %slice3A_311 = vector.extract_strided_slice %get3A_113 {offsets = [14], sizes = [1], strides = [1]} : vector<16xi32> to vector<1xi32>
      %squeeze3A_312 = vector.extract %slice3A_311[0] : i32 from vector<1xi32>
      %dma_start3A_313 = arith.constant 0 : i32
      %dma_start3A_314 = tpu.memref_slice %arg9[%add3A_310, %dma_start3A_313] : memref<512x64xf32, #tpu.memory_space<vmem>> -> memref<1x64xf32, #tpu.memory_space<vmem>>
      %dma_start3A_315 = arith.constant 0 : i32
      %dma_start3A_316 = tpu.memref_slice %arg2[%squeeze3A_312, %dma_start3A_315] : memref<1000000x64xf32, #tpu.memory_space<hbm>> -> memref<1x64xf32, #tpu.memory_space<hbm>>
      %dma_start3A_317 = arith.constant 0 : i32
      %dma_start3A_318 = tpu.memref_slice %arg9[%add3A_310, %dma_start3A_317] : memref<512x64xf32, #tpu.memory_space<vmem>> -> memref<1x64xf32, #tpu.memory_space<vmem>>
      %dma_start3A_319 = arith.constant 0 : i32
      %dma_start3A_320 = tpu.memref_slice %arg2[%squeeze3A_312, %dma_start3A_319] : memref<1000000x64xf32, #tpu.memory_space<hbm>> -> memref<1x64xf32, #tpu.memory_space<hbm>>
      tpu.enqueue_dma source(%dma_start3A_320 : memref<1x64xf32, #tpu.memory_space<hbm>>) target(%dma_start3A_318 : memref<1x64xf32, #tpu.memory_space<vmem>>) target_semaphore(%arg12 : memref<!tpu.dma_semaphore, #tpu.memory_space<semaphore_mem>>)
      %mul3A_321 = arith.constant 16 : i32
      %mul3A_322 = arith.muli %scan3A_109, %mul3A_321 : i32
      %add3A_323 = arith.constant 15 : i32
      %add3A_324 = arith.addi %mul3A_322, %add3A_323 : i32
      %slice3A_325 = vector.extract_strided_slice %get3A_113 {offsets = [15], sizes = [1], strides = [1]} : vector<16xi32> to vector<1xi32>
      %squeeze3A_326 = vector.extract %slice3A_325[0] : i32 from vector<1xi32>
      %dma_start3A_327 = arith.constant 0 : i32
      %dma_start3A_328 = tpu.memref_slice %arg9[%add3A_324, %dma_start3A_327] : memref<512x64xf32, #tpu.memory_space<vmem>> -> memref<1x64xf32, #tpu.memory_space<vmem>>
      %dma_start3A_329 = arith.constant 0 : i32
      %dma_start3A_330 = tpu.memref_slice %arg2[%squeeze3A_326, %dma_start3A_329] : memref<1000000x64xf32, #tpu.memory_space<hbm>> -> memref<1x64xf32, #tpu.memory_space<hbm>>
      %dma_start3A_331 = arith.constant 0 : i32
      %dma_start3A_332 = tpu.memref_slice %arg9[%add3A_324, %dma_start3A_331] : memref<512x64xf32, #tpu.memory_space<vmem>> -> memref<1x64xf32, #tpu.memory_space<vmem>>
      %dma_start3A_333 = arith.constant 0 : i32
      %dma_start3A_334 = tpu.memref_slice %arg2[%squeeze3A_326, %dma_start3A_333] : memref<1000000x64xf32, #tpu.memory_space<hbm>> -> memref<1x64xf32, #tpu.memory_space<hbm>>
      tpu.enqueue_dma source(%dma_start3A_334 : memref<1x64xf32, #tpu.memory_space<hbm>>) target(%dma_start3A_332 : memref<1x64xf32, #tpu.memory_space<vmem>>) target_semaphore(%arg13 : memref<!tpu.dma_semaphore, #tpu.memory_space<semaphore_mem>>)
    }
    %scan3A_7 = arith.constant 32 : i32
    %dma_wait3A = arith.constant 0 : i32
    %dma_wait3A_8 = arith.constant 0 : i32
    %dma_wait3A_9 = tpu.memref_slice %arg9[%dma_wait3A, %dma_wait3A_8] : memref<512x64xf32, #tpu.memory_space<vmem>> -> memref<128x64xf32, #tpu.memory_space<vmem>>
    %dma_wait3A_10 = arith.constant 0 : i32
    %dma_wait3A_11 = arith.constant 0 : i32
    %dma_wait3A_12 = tpu.memref_slice %arg2[%dma_wait3A_10, %dma_wait3A_11] : memref<1000000x64xf32, #tpu.memory_space<hbm>> -> memref<128x64xf32, #tpu.memory_space<hbm>>
    %dma_wait3A_13 = arith.constant 0 : i32
    %dma_wait3A_14 = arith.constant 0 : i32
    %dma_wait3A_15 = tpu.memref_slice %arg9[%dma_wait3A_13, %dma_wait3A_14] : memref<512x64xf32, #tpu.memory_space<vmem>> -> memref<128x64xf32, #tpu.memory_space<vmem>>
    %dma_wait3A_16 = arith.constant 0 : i32
    %dma_wait3A_17 = arith.constant 0 : i32
    %dma_wait3A_18 = tpu.memref_slice %arg2[%dma_wait3A_16, %dma_wait3A_17] : memref<1000000x64xf32, #tpu.memory_space<hbm>> -> memref<128x64xf32, #tpu.memory_space<hbm>>
    tpu.wait_dma2 semaphore(%arg10 : memref<!tpu.dma_semaphore, #tpu.memory_space<semaphore_mem>>) src(%dma_wait3A_18 : memref<128x64xf32, #tpu.memory_space<hbm>>) dst(%dma_wait3A_15 : memref<128x64xf32, #tpu.memory_space<vmem>>)
    %dma_wait3A_19 = arith.constant 0 : i32
    %dma_wait3A_20 = arith.constant 0 : i32
    %dma_wait3A_21 = tpu.memref_slice %arg9[%dma_wait3A_19, %dma_wait3A_20] : memref<512x64xf32, #tpu.memory_space<vmem>> -> memref<128x64xf32, #tpu.memory_space<vmem>>
    %dma_wait3A_22 = arith.constant 0 : i32
    %dma_wait3A_23 = arith.constant 0 : i32
    %dma_wait3A_24 = tpu.memref_slice %arg2[%dma_wait3A_22, %dma_wait3A_23] : memref<1000000x64xf32, #tpu.memory_space<hbm>> -> memref<128x64xf32, #tpu.memory_space<hbm>>
    %dma_wait3A_25 = arith.constant 0 : i32
    %dma_wait3A_26 = arith.constant 0 : i32
    %dma_wait3A_27 = tpu.memref_slice %arg9[%dma_wait3A_25, %dma_wait3A_26] : memref<512x64xf32, #tpu.memory_space<vmem>> -> memref<128x64xf32, #tpu.memory_space<vmem>>
    %dma_wait3A_28 = arith.constant 0 : i32
    %dma_wait3A_29 = arith.constant 0 : i32
    %dma_wait3A_30 = tpu.memref_slice %arg2[%dma_wait3A_28, %dma_wait3A_29] : memref<1000000x64xf32, #tpu.memory_space<hbm>> -> memref<128x64xf32, #tpu.memory_space<hbm>>
    tpu.wait_dma2 semaphore(%arg11 : memref<!tpu.dma_semaphore, #tpu.memory_space<semaphore_mem>>) src(%dma_wait3A_30 : memref<128x64xf32, #tpu.memory_space<hbm>>) dst(%dma_wait3A_27 : memref<128x64xf32, #tpu.memory_space<vmem>>)
    %dma_wait3A_31 = arith.constant 0 : i32
    %dma_wait3A_32 = arith.constant 0 : i32
    %dma_wait3A_33 = tpu.memref_slice %arg9[%dma_wait3A_31, %dma_wait3A_32] : memref<512x64xf32, #tpu.memory_space<vmem>> -> memref<128x64xf32, #tpu.memory_space<vmem>>
    %dma_wait3A_34 = arith.constant 0 : i32
    %dma_wait3A_35 = arith.constant 0 : i32
    %dma_wait3A_36 = tpu.memref_slice %arg2[%dma_wait3A_34, %dma_wait3A_35] : memref<1000000x64xf32, #tpu.memory_space<hbm>> -> memref<128x64xf32, #tpu.memory_space<hbm>>
    %dma_wait3A_37 = arith.constant 0 : i32
    %dma_wait3A_38 = arith.constant 0 : i32
    %dma_wait3A_39 = tpu.memref_slice %arg9[%dma_wait3A_37, %dma_wait3A_38] : memref<512x64xf32, #tpu.memory_space<vmem>> -> memref<128x64xf32, #tpu.memory_space<vmem>>
    %dma_wait3A_40 = arith.constant 0 : i32
    %dma_wait3A_41 = arith.constant 0 : i32
    %dma_wait3A_42 = tpu.memref_slice %arg2[%dma_wait3A_40, %dma_wait3A_41] : memref<1000000x64xf32, #tpu.memory_space<hbm>> -> memref<128x64xf32, #tpu.memory_space<hbm>>
    tpu.wait_dma2 semaphore(%arg12 : memref<!tpu.dma_semaphore, #tpu.memory_space<semaphore_mem>>) src(%dma_wait3A_42 : memref<128x64xf32, #tpu.memory_space<hbm>>) dst(%dma_wait3A_39 : memref<128x64xf32, #tpu.memory_space<vmem>>)
    %dma_wait3A_43 = arith.constant 0 : i32
    %dma_wait3A_44 = arith.constant 0 : i32
    %dma_wait3A_45 = tpu.memref_slice %arg9[%dma_wait3A_43, %dma_wait3A_44] : memref<512x64xf32, #tpu.memory_space<vmem>> -> memref<128x64xf32, #tpu.memory_space<vmem>>
    %dma_wait3A_46 = arith.constant 0 : i32
    %dma_wait3A_47 = arith.constant 0 : i32
    %dma_wait3A_48 = tpu.memref_slice %arg2[%dma_wait3A_46, %dma_wait3A_47] : memref<1000000x64xf32, #tpu.memory_space<hbm>> -> memref<128x64xf32, #tpu.memory_space<hbm>>
    %dma_wait3A_49 = arith.constant 0 : i32
    %dma_wait3A_50 = arith.constant 0 : i32
    %dma_wait3A_51 = tpu.memref_slice %arg9[%dma_wait3A_49, %dma_wait3A_50] : memref<512x64xf32, #tpu.memory_space<vmem>> -> memref<128x64xf32, #tpu.memory_space<vmem>>
    %dma_wait3A_52 = arith.constant 0 : i32
    %dma_wait3A_53 = arith.constant 0 : i32
    %dma_wait3A_54 = tpu.memref_slice %arg2[%dma_wait3A_52, %dma_wait3A_53] : memref<1000000x64xf32, #tpu.memory_space<hbm>> -> memref<128x64xf32, #tpu.memory_space<hbm>>
    tpu.wait_dma2 semaphore(%arg13 : memref<!tpu.dma_semaphore, #tpu.memory_space<semaphore_mem>>) src(%dma_wait3A_54 : memref<128x64xf32, #tpu.memory_space<hbm>>) dst(%dma_wait3A_51 : memref<128x64xf32, #tpu.memory_space<vmem>>)
    "tpu.region"() ({
      %run_scoped3A = tpu.sem_alloc : memref<!tpu.dma_semaphore, #tpu.memory_space<semaphore_mem>>
      %dma_start3A = arith.constant 0 : i32
      %dma_start3A_109 = tpu.memref_slice %arg6[%mul3A_2, %dma_start3A] : memref<16384x64xf32, #tpu.memory_space<hbm>> -> memref<512x64xf32, #tpu.memory_space<hbm>>
      %dma_start3A_110 = arith.constant 0 : i32
      %dma_start3A_111 = tpu.memref_slice %arg6[%mul3A_2, %dma_start3A_110] : memref<16384x64xf32, #tpu.memory_space<hbm>> -> memref<512x64xf32, #tpu.memory_space<hbm>>
      tpu.enqueue_dma source(%arg9 : memref<512x64xf32, #tpu.memory_space<vmem>>) target(%dma_start3A_111 : memref<512x64xf32, #tpu.memory_space<hbm>>) target_semaphore(%run_scoped3A : memref<!tpu.dma_semaphore, #tpu.memory_space<semaphore_mem>>)
      %dma_wait3A_112 = arith.constant 0 : i32
      %dma_wait3A_113 = tpu.memref_slice %arg6[%mul3A_2, %dma_wait3A_112] : memref<16384x64xf32, #tpu.memory_space<hbm>> -> memref<512x64xf32, #tpu.memory_space<hbm>>
      %dma_wait3A_114 = arith.constant 0 : i32
      %dma_wait3A_115 = tpu.memref_slice %arg6[%mul3A_2, %dma_wait3A_114] : memref<16384x64xf32, #tpu.memory_space<hbm>> -> memref<512x64xf32, #tpu.memory_space<hbm>>
      tpu.wait_dma2 semaphore(%run_scoped3A : memref<!tpu.dma_semaphore, #tpu.memory_space<semaphore_mem>>) src(%arg9 : memref<512x64xf32, #tpu.memory_space<vmem>>) dst(%dma_wait3A_115 : memref<512x64xf32, #tpu.memory_space<hbm>>)
      tpu.yield
    }) : () -> ()
    "tpu.region"() ({
      %run_scoped3A = tpu.sem_alloc : memref<!tpu.dma_semaphore, #tpu.memory_space<semaphore_mem>>
      %dma_start3A = tpu.memref_slice %arg5[%mul3A_2] : memref<16384xi32, #tpu.memory_space<hbm>> -> memref<512xi32, #tpu.memory_space<hbm>>
      %dma_start3A_109 = tpu.memref_slice %arg5[%mul3A_2] : memref<16384xi32, #tpu.memory_space<hbm>> -> memref<512xi32, #tpu.memory_space<hbm>>
      tpu.enqueue_dma source(%dma_start3A_109 : memref<512xi32, #tpu.memory_space<hbm>>) target(%arg8 : memref<512xi32, #tpu.memory_space<vmem>>) target_semaphore(%run_scoped3A : memref<!tpu.dma_semaphore, #tpu.memory_space<semaphore_mem>>)
      %dma_wait3A_110 = tpu.memref_slice %arg5[%mul3A_2] : memref<16384xi32, #tpu.memory_space<hbm>> -> memref<512xi32, #tpu.memory_space<hbm>>
      %dma_wait3A_111 = tpu.memref_slice %arg5[%mul3A_2] : memref<16384xi32, #tpu.memory_space<hbm>> -> memref<512xi32, #tpu.memory_space<hbm>>
      tpu.wait_dma2 semaphore(%run_scoped3A : memref<!tpu.dma_semaphore, #tpu.memory_space<semaphore_mem>>) src(%dma_wait3A_111 : memref<512xi32, #tpu.memory_space<hbm>>) dst(%arg8 : memref<512xi32, #tpu.memory_space<vmem>>)
      tpu.yield
    }) : () -> ()
    %scan3A_55 = arith.constant 0 : i32
    %scan3A_56 = arith.constant 0 : i32
    %scan3A_57 = arith.constant 32 : i32
    %scan3A_58 = arith.addi %scan3A_56, %scan3A_57 : i32
    %scan3A_59 = arith.constant 1 : i32
    scf.for %scan3A_109 = %scan3A_56 to %scan3A_58 step %scan3A_59  : i32 {
      %mul3A_110 = arith.constant 16 : i32
      %mul3A_111 = arith.muli %scan3A_109, %mul3A_110 : i32
      %get3A = arith.index_cast %mul3A_111 : i32 to index
      %get3A_112 = tpu.vector_load %arg8[%get3A] {strides = array<i32>} : memref<512xi32, #tpu.memory_space<vmem>>, vector<16xi32>,
      %get3A_113 = vector.shape_cast %get3A_112 : vector<16xi32> to vector<16xi32>
      %mul3A_114 = arith.constant 16 : i32
      %mul3A_115 = arith.muli %scan3A_109, %mul3A_114 : i32
      %add3A_116 = arith.constant 0 : i32
      %add3A_117 = arith.addi %mul3A_115, %add3A_116 : i32
      %slice3A = vector.extract_strided_slice %get3A_113 {offsets = [0], sizes = [1], strides = [1]} : vector<16xi32> to vector<1xi32>
      %squeeze3A = vector.extract %slice3A[0] : i32 from vector<1xi32>
      %dma_start3A = arith.constant 0 : i32
      %dma_start3A_118 = tpu.memref_slice %arg9[%add3A_117, %dma_start3A] : memref<512x64xf32, #tpu.memory_space<vmem>> -> memref<1x64xf32, #tpu.memory_space<vmem>>
      %dma_start3A_119 = arith.constant 0 : i32
      %dma_start3A_120 = tpu.memref_slice %arg3[%squeeze3A, %dma_start3A_119] : memref<1000000x64xf32, #tpu.memory_space<hbm>> -> memref<1x64xf32, #tpu.memory_space<hbm>>
      %dma_start3A_121 = arith.constant 0 : i32
      %dma_start3A_122 = tpu.memref_slice %arg9[%add3A_117, %dma_start3A_121] : memref<512x64xf32, #tpu.memory_space<vmem>> -> memref<1x64xf32, #tpu.memory_space<vmem>>
      %dma_start3A_123 = arith.constant 0 : i32
      %dma_start3A_124 = tpu.memref_slice %arg3[%squeeze3A, %dma_start3A_123] : memref<1000000x64xf32, #tpu.memory_space<hbm>> -> memref<1x64xf32, #tpu.memory_space<hbm>>
      tpu.enqueue_dma source(%dma_start3A_124 : memref<1x64xf32, #tpu.memory_space<hbm>>) target(%dma_start3A_122 : memref<1x64xf32, #tpu.memory_space<vmem>>) target_semaphore(%arg10 : memref<!tpu.dma_semaphore, #tpu.memory_space<semaphore_mem>>)
      %mul3A_125 = arith.constant 16 : i32
      %mul3A_126 = arith.muli %scan3A_109, %mul3A_125 : i32
      %add3A_127 = arith.constant 1 : i32
      %add3A_128 = arith.addi %mul3A_126, %add3A_127 : i32
      %slice3A_129 = vector.extract_strided_slice %get3A_113 {offsets = [1], sizes = [1], strides = [1]} : vector<16xi32> to vector<1xi32>
      %squeeze3A_130 = vector.extract %slice3A_129[0] : i32 from vector<1xi32>
      %dma_start3A_131 = arith.constant 0 : i32
      %dma_start3A_132 = tpu.memref_slice %arg9[%add3A_128, %dma_start3A_131] : memref<512x64xf32, #tpu.memory_space<vmem>> -> memref<1x64xf32, #tpu.memory_space<vmem>>
      %dma_start3A_133 = arith.constant 0 : i32
      %dma_start3A_134 = tpu.memref_slice %arg3[%squeeze3A_130, %dma_start3A_133] : memref<1000000x64xf32, #tpu.memory_space<hbm>> -> memref<1x64xf32, #tpu.memory_space<hbm>>
      %dma_start3A_135 = arith.constant 0 : i32
      %dma_start3A_136 = tpu.memref_slice %arg9[%add3A_128, %dma_start3A_135] : memref<512x64xf32, #tpu.memory_space<vmem>> -> memref<1x64xf32, #tpu.memory_space<vmem>>
      %dma_start3A_137 = arith.constant 0 : i32
      %dma_start3A_138 = tpu.memref_slice %arg3[%squeeze3A_130, %dma_start3A_137] : memref<1000000x64xf32, #tpu.memory_space<hbm>> -> memref<1x64xf32, #tpu.memory_space<hbm>>
      tpu.enqueue_dma source(%dma_start3A_138 : memref<1x64xf32, #tpu.memory_space<hbm>>) target(%dma_start3A_136 : memref<1x64xf32, #tpu.memory_space<vmem>>) target_semaphore(%arg11 : memref<!tpu.dma_semaphore, #tpu.memory_space<semaphore_mem>>)
      %mul3A_139 = arith.constant 16 : i32
      %mul3A_140 = arith.muli %scan3A_109, %mul3A_139 : i32
      %add3A_141 = arith.constant 2 : i32
      %add3A_142 = arith.addi %mul3A_140, %add3A_141 : i32
      %slice3A_143 = vector.extract_strided_slice %get3A_113 {offsets = [2], sizes = [1], strides = [1]} : vector<16xi32> to vector<1xi32>
      %squeeze3A_144 = vector.extract %slice3A_143[0] : i32 from vector<1xi32>
      %dma_start3A_145 = arith.constant 0 : i32
      %dma_start3A_146 = tpu.memref_slice %arg9[%add3A_142, %dma_start3A_145] : memref<512x64xf32, #tpu.memory_space<vmem>> -> memref<1x64xf32, #tpu.memory_space<vmem>>
      %dma_start3A_147 = arith.constant 0 : i32
      %dma_start3A_148 = tpu.memref_slice %arg3[%squeeze3A_144, %dma_start3A_147] : memref<1000000x64xf32, #tpu.memory_space<hbm>> -> memref<1x64xf32, #tpu.memory_space<hbm>>
      %dma_start3A_149 = arith.constant 0 : i32
      %dma_start3A_150 = tpu.memref_slice %arg9[%add3A_142, %dma_start3A_149] : memref<512x64xf32, #tpu.memory_space<vmem>> -> memref<1x64xf32, #tpu.memory_space<vmem>>
      %dma_start3A_151 = arith.constant 0 : i32
      %dma_start3A_152 = tpu.memref_slice %arg3[%squeeze3A_144, %dma_start3A_151] : memref<1000000x64xf32, #tpu.memory_space<hbm>> -> memref<1x64xf32, #tpu.memory_space<hbm>>
      tpu.enqueue_dma source(%dma_start3A_152 : memref<1x64xf32, #tpu.memory_space<hbm>>) target(%dma_start3A_150 : memref<1x64xf32, #tpu.memory_space<vmem>>) target_semaphore(%arg12 : memref<!tpu.dma_semaphore, #tpu.memory_space<semaphore_mem>>)
      %mul3A_153 = arith.constant 16 : i32
      %mul3A_154 = arith.muli %scan3A_109, %mul3A_153 : i32
      %add3A_155 = arith.constant 3 : i32
      %add3A_156 = arith.addi %mul3A_154, %add3A_155 : i32
      %slice3A_157 = vector.extract_strided_slice %get3A_113 {offsets = [3], sizes = [1], strides = [1]} : vector<16xi32> to vector<1xi32>
      %squeeze3A_158 = vector.extract %slice3A_157[0] : i32 from vector<1xi32>
      %dma_start3A_159 = arith.constant 0 : i32
      %dma_start3A_160 = tpu.memref_slice %arg9[%add3A_156, %dma_start3A_159] : memref<512x64xf32, #tpu.memory_space<vmem>> -> memref<1x64xf32, #tpu.memory_space<vmem>>
      %dma_start3A_161 = arith.constant 0 : i32
      %dma_start3A_162 = tpu.memref_slice %arg3[%squeeze3A_158, %dma_start3A_161] : memref<1000000x64xf32, #tpu.memory_space<hbm>> -> memref<1x64xf32, #tpu.memory_space<hbm>>
      %dma_start3A_163 = arith.constant 0 : i32
      %dma_start3A_164 = tpu.memref_slice %arg9[%add3A_156, %dma_start3A_163] : memref<512x64xf32, #tpu.memory_space<vmem>> -> memref<1x64xf32, #tpu.memory_space<vmem>>
      %dma_start3A_165 = arith.constant 0 : i32
      %dma_start3A_166 = tpu.memref_slice %arg3[%squeeze3A_158, %dma_start3A_165] : memref<1000000x64xf32, #tpu.memory_space<hbm>> -> memref<1x64xf32, #tpu.memory_space<hbm>>
      tpu.enqueue_dma source(%dma_start3A_166 : memref<1x64xf32, #tpu.memory_space<hbm>>) target(%dma_start3A_164 : memref<1x64xf32, #tpu.memory_space<vmem>>) target_semaphore(%arg13 : memref<!tpu.dma_semaphore, #tpu.memory_space<semaphore_mem>>)
      %mul3A_167 = arith.constant 16 : i32
      %mul3A_168 = arith.muli %scan3A_109, %mul3A_167 : i32
      %add3A_169 = arith.constant 4 : i32
      %add3A_170 = arith.addi %mul3A_168, %add3A_169 : i32
      %slice3A_171 = vector.extract_strided_slice %get3A_113 {offsets = [4], sizes = [1], strides = [1]} : vector<16xi32> to vector<1xi32>
      %squeeze3A_172 = vector.extract %slice3A_171[0] : i32 from vector<1xi32>
      %dma_start3A_173 = arith.constant 0 : i32
      %dma_start3A_174 = tpu.memref_slice %arg9[%add3A_170, %dma_start3A_173] : memref<512x64xf32, #tpu.memory_space<vmem>> -> memref<1x64xf32, #tpu.memory_space<vmem>>
      %dma_start3A_175 = arith.constant 0 : i32
      %dma_start3A_176 = tpu.memref_slice %arg3[%squeeze3A_172, %dma_start3A_175] : memref<1000000x64xf32, #tpu.memory_space<hbm>> -> memref<1x64xf32, #tpu.memory_space<hbm>>
      %dma_start3A_177 = arith.constant 0 : i32
      %dma_start3A_178 = tpu.memref_slice %arg9[%add3A_170, %dma_start3A_177] : memref<512x64xf32, #tpu.memory_space<vmem>> -> memref<1x64xf32, #tpu.memory_space<vmem>>
      %dma_start3A_179 = arith.constant 0 : i32
      %dma_start3A_180 = tpu.memref_slice %arg3[%squeeze3A_172, %dma_start3A_179] : memref<1000000x64xf32, #tpu.memory_space<hbm>> -> memref<1x64xf32, #tpu.memory_space<hbm>>
      tpu.enqueue_dma source(%dma_start3A_180 : memref<1x64xf32, #tpu.memory_space<hbm>>) target(%dma_start3A_178 : memref<1x64xf32, #tpu.memory_space<vmem>>) target_semaphore(%arg10 : memref<!tpu.dma_semaphore, #tpu.memory_space<semaphore_mem>>)
      %mul3A_181 = arith.constant 16 : i32
      %mul3A_182 = arith.muli %scan3A_109, %mul3A_181 : i32
      %add3A_183 = arith.constant 5 : i32
      %add3A_184 = arith.addi %mul3A_182, %add3A_183 : i32
      %slice3A_185 = vector.extract_strided_slice %get3A_113 {offsets = [5], sizes = [1], strides = [1]} : vector<16xi32> to vector<1xi32>
      %squeeze3A_186 = vector.extract %slice3A_185[0] : i32 from vector<1xi32>
      %dma_start3A_187 = arith.constant 0 : i32
      %dma_start3A_188 = tpu.memref_slice %arg9[%add3A_184, %dma_start3A_187] : memref<512x64xf32, #tpu.memory_space<vmem>> -> memref<1x64xf32, #tpu.memory_space<vmem>>
      %dma_start3A_189 = arith.constant 0 : i32
      %dma_start3A_190 = tpu.memref_slice %arg3[%squeeze3A_186, %dma_start3A_189] : memref<1000000x64xf32, #tpu.memory_space<hbm>> -> memref<1x64xf32, #tpu.memory_space<hbm>>
      %dma_start3A_191 = arith.constant 0 : i32
      %dma_start3A_192 = tpu.memref_slice %arg9[%add3A_184, %dma_start3A_191] : memref<512x64xf32, #tpu.memory_space<vmem>> -> memref<1x64xf32, #tpu.memory_space<vmem>>
      %dma_start3A_193 = arith.constant 0 : i32
      %dma_start3A_194 = tpu.memref_slice %arg3[%squeeze3A_186, %dma_start3A_193] : memref<1000000x64xf32, #tpu.memory_space<hbm>> -> memref<1x64xf32, #tpu.memory_space<hbm>>
      tpu.enqueue_dma source(%dma_start3A_194 : memref<1x64xf32, #tpu.memory_space<hbm>>) target(%dma_start3A_192 : memref<1x64xf32, #tpu.memory_space<vmem>>) target_semaphore(%arg11 : memref<!tpu.dma_semaphore, #tpu.memory_space<semaphore_mem>>)
      %mul3A_195 = arith.constant 16 : i32
      %mul3A_196 = arith.muli %scan3A_109, %mul3A_195 : i32
      %add3A_197 = arith.constant 6 : i32
      %add3A_198 = arith.addi %mul3A_196, %add3A_197 : i32
      %slice3A_199 = vector.extract_strided_slice %get3A_113 {offsets = [6], sizes = [1], strides = [1]} : vector<16xi32> to vector<1xi32>
      %squeeze3A_200 = vector.extract %slice3A_199[0] : i32 from vector<1xi32>
      %dma_start3A_201 = arith.constant 0 : i32
      %dma_start3A_202 = tpu.memref_slice %arg9[%add3A_198, %dma_start3A_201] : memref<512x64xf32, #tpu.memory_space<vmem>> -> memref<1x64xf32, #tpu.memory_space<vmem>>
      %dma_start3A_203 = arith.constant 0 : i32
      %dma_start3A_204 = tpu.memref_slice %arg3[%squeeze3A_200, %dma_start3A_203] : memref<1000000x64xf32, #tpu.memory_space<hbm>> -> memref<1x64xf32, #tpu.memory_space<hbm>>
      %dma_start3A_205 = arith.constant 0 : i32
      %dma_start3A_206 = tpu.memref_slice %arg9[%add3A_198, %dma_start3A_205] : memref<512x64xf32, #tpu.memory_space<vmem>> -> memref<1x64xf32, #tpu.memory_space<vmem>>
      %dma_start3A_207 = arith.constant 0 : i32
      %dma_start3A_208 = tpu.memref_slice %arg3[%squeeze3A_200, %dma_start3A_207] : memref<1000000x64xf32, #tpu.memory_space<hbm>> -> memref<1x64xf32, #tpu.memory_space<hbm>>
      tpu.enqueue_dma source(%dma_start3A_208 : memref<1x64xf32, #tpu.memory_space<hbm>>) target(%dma_start3A_206 : memref<1x64xf32, #tpu.memory_space<vmem>>) target_semaphore(%arg12 : memref<!tpu.dma_semaphore, #tpu.memory_space<semaphore_mem>>)
      %mul3A_209 = arith.constant 16 : i32
      %mul3A_210 = arith.muli %scan3A_109, %mul3A_209 : i32
      %add3A_211 = arith.constant 7 : i32
      %add3A_212 = arith.addi %mul3A_210, %add3A_211 : i32
      %slice3A_213 = vector.extract_strided_slice %get3A_113 {offsets = [7], sizes = [1], strides = [1]} : vector<16xi32> to vector<1xi32>
      %squeeze3A_214 = vector.extract %slice3A_213[0] : i32 from vector<1xi32>
      %dma_start3A_215 = arith.constant 0 : i32
      %dma_start3A_216 = tpu.memref_slice %arg9[%add3A_212, %dma_start3A_215] : memref<512x64xf32, #tpu.memory_space<vmem>> -> memref<1x64xf32, #tpu.memory_space<vmem>>
      %dma_start3A_217 = arith.constant 0 : i32
      %dma_start3A_218 = tpu.memref_slice %arg3[%squeeze3A_214, %dma_start3A_217] : memref<1000000x64xf32, #tpu.memory_space<hbm>> -> memref<1x64xf32, #tpu.memory_space<hbm>>
      %dma_start3A_219 = arith.constant 0 : i32
      %dma_start3A_220 = tpu.memref_slice %arg9[%add3A_212, %dma_start3A_219] : memref<512x64xf32, #tpu.memory_space<vmem>> -> memref<1x64xf32, #tpu.memory_space<vmem>>
      %dma_start3A_221 = arith.constant 0 : i32
      %dma_start3A_222 = tpu.memref_slice %arg3[%squeeze3A_214, %dma_start3A_221] : memref<1000000x64xf32, #tpu.memory_space<hbm>> -> memref<1x64xf32, #tpu.memory_space<hbm>>
      tpu.enqueue_dma source(%dma_start3A_222 : memref<1x64xf32, #tpu.memory_space<hbm>>) target(%dma_start3A_220 : memref<1x64xf32, #tpu.memory_space<vmem>>) target_semaphore(%arg13 : memref<!tpu.dma_semaphore, #tpu.memory_space<semaphore_mem>>)
      %mul3A_223 = arith.constant 16 : i32
      %mul3A_224 = arith.muli %scan3A_109, %mul3A_223 : i32
      %add3A_225 = arith.constant 8 : i32
      %add3A_226 = arith.addi %mul3A_224, %add3A_225 : i32
      %slice3A_227 = vector.extract_strided_slice %get3A_113 {offsets = [8], sizes = [1], strides = [1]} : vector<16xi32> to vector<1xi32>
      %squeeze3A_228 = vector.extract %slice3A_227[0] : i32 from vector<1xi32>
      %dma_start3A_229 = arith.constant 0 : i32
      %dma_start3A_230 = tpu.memref_slice %arg9[%add3A_226, %dma_start3A_229] : memref<512x64xf32, #tpu.memory_space<vmem>> -> memref<1x64xf32, #tpu.memory_space<vmem>>
      %dma_start3A_231 = arith.constant 0 : i32
      %dma_start3A_232 = tpu.memref_slice %arg3[%squeeze3A_228, %dma_start3A_231] : memref<1000000x64xf32, #tpu.memory_space<hbm>> -> memref<1x64xf32, #tpu.memory_space<hbm>>
      %dma_start3A_233 = arith.constant 0 : i32
      %dma_start3A_234 = tpu.memref_slice %arg9[%add3A_226, %dma_start3A_233] : memref<512x64xf32, #tpu.memory_space<vmem>> -> memref<1x64xf32, #tpu.memory_space<vmem>>
      %dma_start3A_235 = arith.constant 0 : i32
      %dma_start3A_236 = tpu.memref_slice %arg3[%squeeze3A_228, %dma_start3A_235] : memref<1000000x64xf32, #tpu.memory_space<hbm>> -> memref<1x64xf32, #tpu.memory_space<hbm>>
      tpu.enqueue_dma source(%dma_start3A_236 : memref<1x64xf32, #tpu.memory_space<hbm>>) target(%dma_start3A_234 : memref<1x64xf32, #tpu.memory_space<vmem>>) target_semaphore(%arg10 : memref<!tpu.dma_semaphore, #tpu.memory_space<semaphore_mem>>)
      %mul3A_237 = arith.constant 16 : i32
      %mul3A_238 = arith.muli %scan3A_109, %mul3A_237 : i32
      %add3A_239 = arith.constant 9 : i32
      %add3A_240 = arith.addi %mul3A_238, %add3A_239 : i32
      %slice3A_241 = vector.extract_strided_slice %get3A_113 {offsets = [9], sizes = [1], strides = [1]} : vector<16xi32> to vector<1xi32>
      %squeeze3A_242 = vector.extract %slice3A_241[0] : i32 from vector<1xi32>
      %dma_start3A_243 = arith.constant 0 : i32
      %dma_start3A_244 = tpu.memref_slice %arg9[%add3A_240, %dma_start3A_243] : memref<512x64xf32, #tpu.memory_space<vmem>> -> memref<1x64xf32, #tpu.memory_space<vmem>>
      %dma_start3A_245 = arith.constant 0 : i32
      %dma_start3A_246 = tpu.memref_slice %arg3[%squeeze3A_242, %dma_start3A_245] : memref<1000000x64xf32, #tpu.memory_space<hbm>> -> memref<1x64xf32, #tpu.memory_space<hbm>>
      %dma_start3A_247 = arith.constant 0 : i32
      %dma_start3A_248 = tpu.memref_slice %arg9[%add3A_240, %dma_start3A_247] : memref<512x64xf32, #tpu.memory_space<vmem>> -> memref<1x64xf32, #tpu.memory_space<vmem>>
      %dma_start3A_249 = arith.constant 0 : i32
      %dma_start3A_250 = tpu.memref_slice %arg3[%squeeze3A_242, %dma_start3A_249] : memref<1000000x64xf32, #tpu.memory_space<hbm>> -> memref<1x64xf32, #tpu.memory_space<hbm>>
      tpu.enqueue_dma source(%dma_start3A_250 : memref<1x64xf32, #tpu.memory_space<hbm>>) target(%dma_start3A_248 : memref<1x64xf32, #tpu.memory_space<vmem>>) target_semaphore(%arg11 : memref<!tpu.dma_semaphore, #tpu.memory_space<semaphore_mem>>)
      %mul3A_251 = arith.constant 16 : i32
      %mul3A_252 = arith.muli %scan3A_109, %mul3A_251 : i32
      %add3A_253 = arith.constant 10 : i32
      %add3A_254 = arith.addi %mul3A_252, %add3A_253 : i32
      %slice3A_255 = vector.extract_strided_slice %get3A_113 {offsets = [10], sizes = [1], strides = [1]} : vector<16xi32> to vector<1xi32>
      %squeeze3A_256 = vector.extract %slice3A_255[0] : i32 from vector<1xi32>
      %dma_start3A_257 = arith.constant 0 : i32
      %dma_start3A_258 = tpu.memref_slice %arg9[%add3A_254, %dma_start3A_257] : memref<512x64xf32, #tpu.memory_space<vmem>> -> memref<1x64xf32, #tpu.memory_space<vmem>>
      %dma_start3A_259 = arith.constant 0 : i32
      %dma_start3A_260 = tpu.memref_slice %arg3[%squeeze3A_256, %dma_start3A_259] : memref<1000000x64xf32, #tpu.memory_space<hbm>> -> memref<1x64xf32, #tpu.memory_space<hbm>>
      %dma_start3A_261 = arith.constant 0 : i32
      %dma_start3A_262 = tpu.memref_slice %arg9[%add3A_254, %dma_start3A_261] : memref<512x64xf32, #tpu.memory_space<vmem>> -> memref<1x64xf32, #tpu.memory_space<vmem>>
      %dma_start3A_263 = arith.constant 0 : i32
      %dma_start3A_264 = tpu.memref_slice %arg3[%squeeze3A_256, %dma_start3A_263] : memref<1000000x64xf32, #tpu.memory_space<hbm>> -> memref<1x64xf32, #tpu.memory_space<hbm>>
      tpu.enqueue_dma source(%dma_start3A_264 : memref<1x64xf32, #tpu.memory_space<hbm>>) target(%dma_start3A_262 : memref<1x64xf32, #tpu.memory_space<vmem>>) target_semaphore(%arg12 : memref<!tpu.dma_semaphore, #tpu.memory_space<semaphore_mem>>)
      %mul3A_265 = arith.constant 16 : i32
      %mul3A_266 = arith.muli %scan3A_109, %mul3A_265 : i32
      %add3A_267 = arith.constant 11 : i32
      %add3A_268 = arith.addi %mul3A_266, %add3A_267 : i32
      %slice3A_269 = vector.extract_strided_slice %get3A_113 {offsets = [11], sizes = [1], strides = [1]} : vector<16xi32> to vector<1xi32>
      %squeeze3A_270 = vector.extract %slice3A_269[0] : i32 from vector<1xi32>
      %dma_start3A_271 = arith.constant 0 : i32
      %dma_start3A_272 = tpu.memref_slice %arg9[%add3A_268, %dma_start3A_271] : memref<512x64xf32, #tpu.memory_space<vmem>> -> memref<1x64xf32, #tpu.memory_space<vmem>>
      %dma_start3A_273 = arith.constant 0 : i32
      %dma_start3A_274 = tpu.memref_slice %arg3[%squeeze3A_270, %dma_start3A_273] : memref<1000000x64xf32, #tpu.memory_space<hbm>> -> memref<1x64xf32, #tpu.memory_space<hbm>>
      %dma_start3A_275 = arith.constant 0 : i32
      %dma_start3A_276 = tpu.memref_slice %arg9[%add3A_268, %dma_start3A_275] : memref<512x64xf32, #tpu.memory_space<vmem>> -> memref<1x64xf32, #tpu.memory_space<vmem>>
      %dma_start3A_277 = arith.constant 0 : i32
      %dma_start3A_278 = tpu.memref_slice %arg3[%squeeze3A_270, %dma_start3A_277] : memref<1000000x64xf32, #tpu.memory_space<hbm>> -> memref<1x64xf32, #tpu.memory_space<hbm>>
      tpu.enqueue_dma source(%dma_start3A_278 : memref<1x64xf32, #tpu.memory_space<hbm>>) target(%dma_start3A_276 : memref<1x64xf32, #tpu.memory_space<vmem>>) target_semaphore(%arg13 : memref<!tpu.dma_semaphore, #tpu.memory_space<semaphore_mem>>)
      %mul3A_279 = arith.constant 16 : i32
      %mul3A_280 = arith.muli %scan3A_109, %mul3A_279 : i32
      %add3A_281 = arith.constant 12 : i32
      %add3A_282 = arith.addi %mul3A_280, %add3A_281 : i32
      %slice3A_283 = vector.extract_strided_slice %get3A_113 {offsets = [12], sizes = [1], strides = [1]} : vector<16xi32> to vector<1xi32>
      %squeeze3A_284 = vector.extract %slice3A_283[0] : i32 from vector<1xi32>
      %dma_start3A_285 = arith.constant 0 : i32
      %dma_start3A_286 = tpu.memref_slice %arg9[%add3A_282, %dma_start3A_285] : memref<512x64xf32, #tpu.memory_space<vmem>> -> memref<1x64xf32, #tpu.memory_space<vmem>>
      %dma_start3A_287 = arith.constant 0 : i32
      %dma_start3A_288 = tpu.memref_slice %arg3[%squeeze3A_284, %dma_start3A_287] : memref<1000000x64xf32, #tpu.memory_space<hbm>> -> memref<1x64xf32, #tpu.memory_space<hbm>>
      %dma_start3A_289 = arith.constant 0 : i32
      %dma_start3A_290 = tpu.memref_slice %arg9[%add3A_282, %dma_start3A_289] : memref<512x64xf32, #tpu.memory_space<vmem>> -> memref<1x64xf32, #tpu.memory_space<vmem>>
      %dma_start3A_291 = arith.constant 0 : i32
      %dma_start3A_292 = tpu.memref_slice %arg3[%squeeze3A_284, %dma_start3A_291] : memref<1000000x64xf32, #tpu.memory_space<hbm>> -> memref<1x64xf32, #tpu.memory_space<hbm>>
      tpu.enqueue_dma source(%dma_start3A_292 : memref<1x64xf32, #tpu.memory_space<hbm>>) target(%dma_start3A_290 : memref<1x64xf32, #tpu.memory_space<vmem>>) target_semaphore(%arg10 : memref<!tpu.dma_semaphore, #tpu.memory_space<semaphore_mem>>)
      %mul3A_293 = arith.constant 16 : i32
      %mul3A_294 = arith.muli %scan3A_109, %mul3A_293 : i32
      %add3A_295 = arith.constant 13 : i32
      %add3A_296 = arith.addi %mul3A_294, %add3A_295 : i32
      %slice3A_297 = vector.extract_strided_slice %get3A_113 {offsets = [13], sizes = [1], strides = [1]} : vector<16xi32> to vector<1xi32>
      %squeeze3A_298 = vector.extract %slice3A_297[0] : i32 from vector<1xi32>
      %dma_start3A_299 = arith.constant 0 : i32
      %dma_start3A_300 = tpu.memref_slice %arg9[%add3A_296, %dma_start3A_299] : memref<512x64xf32, #tpu.memory_space<vmem>> -> memref<1x64xf32, #tpu.memory_space<vmem>>
      %dma_start3A_301 = arith.constant 0 : i32
      %dma_start3A_302 = tpu.memref_slice %arg3[%squeeze3A_298, %dma_start3A_301] : memref<1000000x64xf32, #tpu.memory_space<hbm>> -> memref<1x64xf32, #tpu.memory_space<hbm>>
      %dma_start3A_303 = arith.constant 0 : i32
      %dma_start3A_304 = tpu.memref_slice %arg9[%add3A_296, %dma_start3A_303] : memref<512x64xf32, #tpu.memory_space<vmem>> -> memref<1x64xf32, #tpu.memory_space<vmem>>
      %dma_start3A_305 = arith.constant 0 : i32
      %dma_start3A_306 = tpu.memref_slice %arg3[%squeeze3A_298, %dma_start3A_305] : memref<1000000x64xf32, #tpu.memory_space<hbm>> -> memref<1x64xf32, #tpu.memory_space<hbm>>
      tpu.enqueue_dma source(%dma_start3A_306 : memref<1x64xf32, #tpu.memory_space<hbm>>) target(%dma_start3A_304 : memref<1x64xf32, #tpu.memory_space<vmem>>) target_semaphore(%arg11 : memref<!tpu.dma_semaphore, #tpu.memory_space<semaphore_mem>>)
      %mul3A_307 = arith.constant 16 : i32
      %mul3A_308 = arith.muli %scan3A_109, %mul3A_307 : i32
      %add3A_309 = arith.constant 14 : i32
      %add3A_310 = arith.addi %mul3A_308, %add3A_309 : i32
      %slice3A_311 = vector.extract_strided_slice %get3A_113 {offsets = [14], sizes = [1], strides = [1]} : vector<16xi32> to vector<1xi32>
      %squeeze3A_312 = vector.extract %slice3A_311[0] : i32 from vector<1xi32>
      %dma_start3A_313 = arith.constant 0 : i32
      %dma_start3A_314 = tpu.memref_slice %arg9[%add3A_310, %dma_start3A_313] : memref<512x64xf32, #tpu.memory_space<vmem>> -> memref<1x64xf32, #tpu.memory_space<vmem>>
      %dma_start3A_315 = arith.constant 0 : i32
      %dma_start3A_316 = tpu.memref_slice %arg3[%squeeze3A_312, %dma_start3A_315] : memref<1000000x64xf32, #tpu.memory_space<hbm>> -> memref<1x64xf32, #tpu.memory_space<hbm>>
      %dma_start3A_317 = arith.constant 0 : i32
      %dma_start3A_318 = tpu.memref_slice %arg9[%add3A_310, %dma_start3A_317] : memref<512x64xf32, #tpu.memory_space<vmem>> -> memref<1x64xf32, #tpu.memory_space<vmem>>
      %dma_start3A_319 = arith.constant 0 : i32
      %dma_start3A_320 = tpu.memref_slice %arg3[%squeeze3A_312, %dma_start3A_319] : memref<1000000x64xf32, #tpu.memory_space<hbm>> -> memref<1x64xf32, #tpu.memory_space<hbm>>
      tpu.enqueue_dma source(%dma_start3A_320 : memref<1x64xf32, #tpu.memory_space<hbm>>) target(%dma_start3A_318 : memref<1x64xf32, #tpu.memory_space<vmem>>) target_semaphore(%arg12 : memref<!tpu.dma_semaphore, #tpu.memory_space<semaphore_mem>>)
      %mul3A_321 = arith.constant 16 : i32
      %mul3A_322 = arith.muli %scan3A_109, %mul3A_321 : i32
      %add3A_323 = arith.constant 15 : i32
      %add3A_324 = arith.addi %mul3A_322, %add3A_323 : i32
      %slice3A_325 = vector.extract_strided_slice %get3A_113 {offsets = [15], sizes = [1], strides = [1]} : vector<16xi32> to vector<1xi32>
      %squeeze3A_326 = vector.extract %slice3A_325[0] : i32 from vector<1xi32>
      %dma_start3A_327 = arith.constant 0 : i32
      %dma_start3A_328 = tpu.memref_slice %arg9[%add3A_324, %dma_start3A_327] : memref<512x64xf32, #tpu.memory_space<vmem>> -> memref<1x64xf32, #tpu.memory_space<vmem>>
      %dma_start3A_329 = arith.constant 0 : i32
      %dma_start3A_330 = tpu.memref_slice %arg3[%squeeze3A_326, %dma_start3A_329] : memref<1000000x64xf32, #tpu.memory_space<hbm>> -> memref<1x64xf32, #tpu.memory_space<hbm>>
      %dma_start3A_331 = arith.constant 0 : i32
      %dma_start3A_332 = tpu.memref_slice %arg9[%add3A_324, %dma_start3A_331] : memref<512x64xf32, #tpu.memory_space<vmem>> -> memref<1x64xf32, #tpu.memory_space<vmem>>
      %dma_start3A_333 = arith.constant 0 : i32
      %dma_start3A_334 = tpu.memref_slice %arg3[%squeeze3A_326, %dma_start3A_333] : memref<1000000x64xf32, #tpu.memory_space<hbm>> -> memref<1x64xf32, #tpu.memory_space<hbm>>
      tpu.enqueue_dma source(%dma_start3A_334 : memref<1x64xf32, #tpu.memory_space<hbm>>) target(%dma_start3A_332 : memref<1x64xf32, #tpu.memory_space<vmem>>) target_semaphore(%arg13 : memref<!tpu.dma_semaphore, #tpu.memory_space<semaphore_mem>>)
    }
    %scan3A_60 = arith.constant 32 : i32
    %dma_wait3A_61 = arith.constant 0 : i32
    %dma_wait3A_62 = arith.constant 0 : i32
    %dma_wait3A_63 = tpu.memref_slice %arg9[%dma_wait3A_61, %dma_wait3A_62] : memref<512x64xf32, #tpu.memory_space<vmem>> -> memref<128x64xf32, #tpu.memory_space<vmem>>
    %dma_wait3A_64 = arith.constant 0 : i32
    %dma_wait3A_65 = arith.constant 0 : i32
    %dma_wait3A_66 = tpu.memref_slice %arg3[%dma_wait3A_64, %dma_wait3A_65] : memref<1000000x64xf32, #tpu.memory_space<hbm>> -> memref<128x64xf32, #tpu.memory_space<hbm>>
    %dma_wait3A_67 = arith.constant 0 : i32
    %dma_wait3A_68 = arith.constant 0 : i32
    %dma_wait3A_69 = tpu.memref_slice %arg9[%dma_wait3A_67, %dma_wait3A_68] : memref<512x64xf32, #tpu.memory_space<vmem>> -> memref<128x64xf32, #tpu.memory_space<vmem>>
    %dma_wait3A_70 = arith.constant 0 : i32
    %dma_wait3A_71 = arith.constant 0 : i32
    %dma_wait3A_72 = tpu.memref_slice %arg3[%dma_wait3A_70, %dma_wait3A_71] : memref<1000000x64xf32, #tpu.memory_space<hbm>> -> memref<128x64xf32, #tpu.memory_space<hbm>>
    tpu.wait_dma2 semaphore(%arg10 : memref<!tpu.dma_semaphore, #tpu.memory_space<semaphore_mem>>) src(%dma_wait3A_72 : memref<128x64xf32, #tpu.memory_space<hbm>>) dst(%dma_wait3A_69 : memref<128x64xf32, #tpu.memory_space<vmem>>)
    %dma_wait3A_73 = arith.constant 0 : i32
    %dma_wait3A_74 = arith.constant 0 : i32
    %dma_wait3A_75 = tpu.memref_slice %arg9[%dma_wait3A_73, %dma_wait3A_74] : memref<512x64xf32, #tpu.memory_space<vmem>> -> memref<128x64xf32, #tpu.memory_space<vmem>>
    %dma_wait3A_76 = arith.constant 0 : i32
    %dma_wait3A_77 = arith.constant 0 : i32
    %dma_wait3A_78 = tpu.memref_slice %arg3[%dma_wait3A_76, %dma_wait3A_77] : memref<1000000x64xf32, #tpu.memory_space<hbm>> -> memref<128x64xf32, #tpu.memory_space<hbm>>
    %dma_wait3A_79 = arith.constant 0 : i32
    %dma_wait3A_80 = arith.constant 0 : i32
    %dma_wait3A_81 = tpu.memref_slice %arg9[%dma_wait3A_79, %dma_wait3A_80] : memref<512x64xf32, #tpu.memory_space<vmem>> -> memref<128x64xf32, #tpu.memory_space<vmem>>
    %dma_wait3A_82 = arith.constant 0 : i32
    %dma_wait3A_83 = arith.constant 0 : i32
    %dma_wait3A_84 = tpu.memref_slice %arg3[%dma_wait3A_82, %dma_wait3A_83] : memref<1000000x64xf32, #tpu.memory_space<hbm>> -> memref<128x64xf32, #tpu.memory_space<hbm>>
    tpu.wait_dma2 semaphore(%arg11 : memref<!tpu.dma_semaphore, #tpu.memory_space<semaphore_mem>>) src(%dma_wait3A_84 : memref<128x64xf32, #tpu.memory_space<hbm>>) dst(%dma_wait3A_81 : memref<128x64xf32, #tpu.memory_space<vmem>>)
    %dma_wait3A_85 = arith.constant 0 : i32
    %dma_wait3A_86 = arith.constant 0 : i32
    %dma_wait3A_87 = tpu.memref_slice %arg9[%dma_wait3A_85, %dma_wait3A_86] : memref<512x64xf32, #tpu.memory_space<vmem>> -> memref<128x64xf32, #tpu.memory_space<vmem>>
    %dma_wait3A_88 = arith.constant 0 : i32
    %dma_wait3A_89 = arith.constant 0 : i32
    %dma_wait3A_90 = tpu.memref_slice %arg3[%dma_wait3A_88, %dma_wait3A_89] : memref<1000000x64xf32, #tpu.memory_space<hbm>> -> memref<128x64xf32, #tpu.memory_space<hbm>>
    %dma_wait3A_91 = arith.constant 0 : i32
    %dma_wait3A_92 = arith.constant 0 : i32
    %dma_wait3A_93 = tpu.memref_slice %arg9[%dma_wait3A_91, %dma_wait3A_92] : memref<512x64xf32, #tpu.memory_space<vmem>> -> memref<128x64xf32, #tpu.memory_space<vmem>>
    %dma_wait3A_94 = arith.constant 0 : i32
    %dma_wait3A_95 = arith.constant 0 : i32
    %dma_wait3A_96 = tpu.memref_slice %arg3[%dma_wait3A_94, %dma_wait3A_95] : memref<1000000x64xf32, #tpu.memory_space<hbm>> -> memref<128x64xf32, #tpu.memory_space<hbm>>
    tpu.wait_dma2 semaphore(%arg12 : memref<!tpu.dma_semaphore, #tpu.memory_space<semaphore_mem>>) src(%dma_wait3A_96 : memref<128x64xf32, #tpu.memory_space<hbm>>) dst(%dma_wait3A_93 : memref<128x64xf32, #tpu.memory_space<vmem>>)
    %dma_wait3A_97 = arith.constant 0 : i32
    %dma_wait3A_98 = arith.constant 0 : i32
    %dma_wait3A_99 = tpu.memref_slice %arg9[%dma_wait3A_97, %dma_wait3A_98] : memref<512x64xf32, #tpu.memory_space<vmem>> -> memref<128x64xf32, #tpu.memory_space<vmem>>
    %dma_wait3A_100 = arith.constant 0 : i32
    %dma_wait3A_101 = arith.constant 0 : i32
    %dma_wait3A_102 = tpu.memref_slice %arg3[%dma_wait3A_100, %dma_wait3A_101] : memref<1000000x64xf32, #tpu.memory_space<hbm>> -> memref<128x64xf32, #tpu.memory_space<hbm>>
    %dma_wait3A_103 = arith.constant 0 : i32
    %dma_wait3A_104 = arith.constant 0 : i32
    %dma_wait3A_105 = tpu.memref_slice %arg9[%dma_wait3A_103, %dma_wait3A_104] : memref<512x64xf32, #tpu.memory_space<vmem>> -> memref<128x64xf32, #tpu.memory_space<vmem>>
    %dma_wait3A_106 = arith.constant 0 : i32
    %dma_wait3A_107 = arith.constant 0 : i32
    %dma_wait3A_108 = tpu.memref_slice %arg3[%dma_wait3A_106, %dma_wait3A_107] : memref<1000000x64xf32, #tpu.memory_space<hbm>> -> memref<128x64xf32, #tpu.memory_space<hbm>>
    tpu.wait_dma2 semaphore(%arg13 : memref<!tpu.dma_semaphore, #tpu.memory_space<semaphore_mem>>) src(%dma_wait3A_108 : memref<128x64xf32, #tpu.memory_space<hbm>>) dst(%dma_wait3A_105 : memref<128x64xf32, #tpu.memory_space<vmem>>)
    "tpu.region"() ({
      %run_scoped3A = tpu.sem_alloc : memref<!tpu.dma_semaphore, #tpu.memory_space<semaphore_mem>>
      %dma_start3A = arith.constant 0 : i32
      %dma_start3A_109 = tpu.memref_slice %arg7[%mul3A_2, %dma_start3A] : memref<16384x64xf32, #tpu.memory_space<hbm>> -> memref<512x64xf32, #tpu.memory_space<hbm>>
      %dma_start3A_110 = arith.constant 0 : i32
      %dma_start3A_111 = tpu.memref_slice %arg7[%mul3A_2, %dma_start3A_110] : memref<16384x64xf32, #tpu.memory_space<hbm>> -> memref<512x64xf32, #tpu.memory_space<hbm>>
      tpu.enqueue_dma source(%arg9 : memref<512x64xf32, #tpu.memory_space<vmem>>) target(%dma_start3A_111 : memref<512x64xf32, #tpu.memory_space<hbm>>) target_semaphore(%run_scoped3A : memref<!tpu.dma_semaphore, #tpu.memory_space<semaphore_mem>>)
      %dma_wait3A_112 = arith.constant 0 : i32
      %dma_wait3A_113 = tpu.memref_slice %arg7[%mul3A_2, %dma_wait3A_112] : memref<16384x64xf32, #tpu.memory_space<hbm>> -> memref<512x64xf32, #tpu.memory_space<hbm>>
      %dma_wait3A_114 = arith.constant 0 : i32
      %dma_wait3A_115 = tpu.memref_slice %arg7[%mul3A_2, %dma_wait3A_114] : memref<16384x64xf32, #tpu.memory_space<hbm>> -> memref<512x64xf32, #tpu.memory_space<hbm>>
      tpu.wait_dma2 semaphore(%run_scoped3A : memref<!tpu.dma_semaphore, #tpu.memory_space<semaphore_mem>>) src(%arg9 : memref<512x64xf32, #tpu.memory_space<vmem>>) dst(%dma_wait3A_115 : memref<512x64xf32, #tpu.memory_space<hbm>>)
      tpu.yield
    }) : () -> ()
    return
  }
}

</mosaic_0001>

<sc_bundles>
// kernel: _sc_gather.3.cloned.1.call-start
scs
__scs_entry_jumppad:
0x0: {  	(pc) =	sbr.rel $0x88, $3  }
0x1: {  	(tag) =	ssettag $0x0;
	lr =	simm.s32 $0x1  }
0x2: {  	[smem:$0x3F9D] =	sst lr;
	_ =	strace $0xD0000000  }
0x3: {  	_ = 	snop  }
0x4: {  	_ = 	snop  }
0x5: {  	_ = 	snop  }
0x6: {  	_ = 	snop  }
0x7: {  	_ = 	snop  }
__scs_overlays_trampoline_lowered:
0x8: {  	[smem:$0x3FAC] =	sst s0  }
0x9: {  	[smem:$0x3FAD] =	sst s1  }
0xa: {  	[smem:$0x3FAE] =	sst s2  }
0xb: {  	[smem:$0x3FAF] =	sst s3  }
0xc: {  	[smem:$0x3FB0] =	sst s4  }
0xd: {  	[smem:$0x3FB1] =	sst s5  }
0xe: {  	[smem:$0x3FB2] =	sst s6  }
0xf: {  	[smem:$0x3FB3] =	sst s7  }
0x10: {  	[smem:$0x3FB4] =	sst s8  }
0x11: {  	[smem:$0x3FB5] =	sst s9;
	s0 =	simm.s32 @!p0 $0x0  }
0x12: {  	s1 =	sld [smem:$0x3F9B];
	s0 =	simm.s32 @p0 $0x1  }
0x13: {  	[smem:$0x3FB6] =	sst s0;
	s0 =	simm.s32 @!p1 $0x0  }
0x14: {  	s2 =	sld [smem:$0x3F9A];
	s0 =	simm.s32 @p1 $0x1  }
0x15: {  	[smem:$0x3FB7] =	sst s0;
	s0 =	simm.s32 @!p2 $0x0  }
0x16: {  	s3 =	sld [smem:$0x3FDB];
	s0 =	simm.s32 @p2 $0x1  }
0x17: {  	s4 =	simm.s32 $0x1BF5;
	[smem:$0x3FB9] =	sst s0  }
0x18: {  	s0 =	sld [smem:$0x3F9C];
	_ =	swait.ge [sflag:s4], $0x0  }
0x19: {  	s7 =	sld [smem:$0x3F9D]  }
0x1a: {  	s8 =	sadd.s32 $0xFFFFE003, lr  }
0x1b: {  	s9 =	sadd.s32 $0xFFFFFEF7, lr;
	s5 =	simm.s32 $0xFFFFFFFF;
	p2 =	slt.u32 s8, $0xFFFFF086  }
0x1c: {  	p1 =	slt.u32 s9, $0xF7A;
	s5 =	simm.s32 @!p2 $0x0  }
0x1d: {  	s5 =	simm.s32 @p1 $0x1;
	p0 =	seq.s32 s7, s2  }
0x1e: {  	s7 =	smul.u32 @!p0 $0xF7A, s2;
	p2 =	seq.s32 @!p0 s5, $0x0  }
0x1f: {  	s9 =	smul.u32 $0xF7A, s1;
	s8 =	simm.s32 @!p0 $0x1BF5;
	p2 =	por !p2, p0  }
0x20: {  	[sflag:s8] =	ssyncset.s32 @!p0 $0xFFFFF086;
	s6 =	sadd.s32 @!p0 s3, s7;
	s7 =	simm.s32 @!p0 $0x108  }
0x21: {  	s3 =	sadd.s32 s3, s9;
	s6 =	sadd.s32 @!p0 $0x88, s6;
	s7 =	simm.s32 @p2 $0x1082  }
0x22: {  	[simem:s7], [sflag:s8] =	dma.local @!p0 [hbm:s6], $0xF7A  }
0x23: {  	s9 =	sor.u32 $0xD0000000, s2;
	s6 =	simm.s32 $0x108;
	_ =	swait.ge @!p0 [sflag:s8], $0x0  }
0x24: {  	s3 =	sadd.s32 $0x88, s3;
	s6 =	simm.s32 @!p1 $0x1082;
	[sflag:s4] =	ssyncset.s32 $0xFFFFF086  }
0x25: {  	[simem:s6], [sflag:s4] =	dma.local [hbm:s3], $0xF7A  }
0x26: {  	[smem:$0x3F9D] =	sst s1;
	(tag) =	ssettag s2;
	_ =	strace s9  }
0x27: {  	s1 =	sld [smem:$0x3FAD]  }
0x28: {  	s2 =	sld [smem:$0x3FAE]  }
0x29: {  	s4 =	sld [smem:$0x3FB0]  }
0x2a: {  	p0 =	seq.s32 s5, $0x0;
	s5 =	sld [smem:$0x3FB1]  }
0x2b: {  	s6 =	sld [smem:$0x3FB2]  }
0x2c: {  	s7 =	sld [smem:$0x3FB3]  }
0x2d: {  	s3 =	simm.s32 $0x108;
	s8 =	sld [smem:$0x3FB4]  }
0x2e: {  	s3 =	simm.s32 @!p0 $0x1082;
	s9 =	sld [smem:$0x3FB5]  }
0x2f: {  	lr =	sadd.s32 s0, s3;
	s0 =	sld [smem:$0x3FAC]  }
0x30: {  	s3 =	sld [smem:$0x3FAF]  }
0x31: {  	[smem:$0x3FB8] =	sst s10  }
0x32: {  	s10 =	sld [smem:$0x3FB6];
	_ =	sdelay $0x3  }
0x33: {  	p0 =	seq.s32 s10, $0x1;
	s10 =	sld [smem:$0x3FB8];
	_ =	sdelay $0x3  }
0x34: {  	[smem:$0x3FB8] =	sst s10  }
0x35: {  	s10 =	sld [smem:$0x3FB7];
	_ =	sdelay $0x3  }
0x36: {  	p1 =	seq.s32 s10, $0x1;
	s10 =	sld [smem:$0x3FB8];
	_ =	sdelay $0x3  }
0x37: {  	[smem:$0x3FB8] =	sst s10  }
0x38: {  	s10 =	sld [smem:$0x3FB9]  }
0x39: {  	_ = 	snop;
	(pc) =	sbr.ind lr, $3  }
0x3a: {  	_ = 	snop  }
0x3b: {  	_ = 	snop  }
0x3c: {  	p2 =	seq.s32 s10, $0x1;
	s10 =	sld [smem:$0x3FB8]  }
0x3d: {  	_ =	shalt  }
0x3e: {  	_ =	shalt  }
0x3f: {  	_ =	shalt  }
0x40: {  	_ =	shalt  }
0x41: {  	_ =	shalt  }
0x42: {  	_ =	shalt  }
0x43: {  	_ =	shalt  }
0x44: {  	_ =	shalt  }
0x45: {  	_ =	shalt  }
0x46: {  	_ =	shalt  }
0x47: {  	_ =	shalt  }
0x48: {  	_ =	shalt  }
0x49: {  	_ =	shalt  }
0x4a: {  	_ =	shalt  }
0x4b: {  	_ =	shalt  }
0x4c: {  	_ =	shalt  }
0x4d: {  	_ =	shalt  }
0x4e: {  	_ =	shalt  }
0x4f: {  	_ =	shalt  }
0x50: {  	_ =	shalt  }
0x51: {  	_ =	shalt  }
0x52: {  	_ =	shalt  }
0x53: {  	_ =	shalt  }
0x54: {  	_ =	shalt  }
0x55: {  	_ =	shalt  }
0x56: {  	_ =	shalt  }
0x57: {  	_ =	shalt  }
0x58: {  	_ =	shalt  }
0x59: {  	_ =	shalt  }
0x5a: {  	_ =	shalt  }
0x5b: {  	_ =	shalt  }
0x5c: {  	_ =	shalt  }
0x5d: {  	_ =	shalt  }
0x5e: {  	_ =	shalt  }
0x5f: {  	_ =	shalt  }
0x60: {  	_ =	shalt  }
0x61: {  	_ =	shalt  }
0x62: {  	_ =	shalt  }
0x63: {  	_ =	shalt  }
0x64: {  	_ =	shalt  }
0x65: {  	_ =	shalt  }
0x66: {  	_ =	shalt  }
0x67: {  	_ =	shalt  }
0x68: {  	_ =	shalt  }
0x69: {  	_ =	shalt  }
0x6a: {  	_ =	shalt  }
0x6b: {  	_ =	shalt  }
0x6c: {  	_ =	shalt  }
0x6d: {  	_ =	shalt  }
0x6e: {  	_ =	shalt  }
0x6f: {  	_ =	shalt  }
0x70: {  	_ =	shalt  }
0x71: {  	_ =	shalt  }
0x72: {  	_ =	shalt  }
0x73: {  	_ =	shalt  }
0x74: {  	_ =	shalt  }
0x75: {  	_ =	shalt  }
0x76: {  	_ =	shalt  }
0x77: {  	_ =	shalt  }
0x78: {  	_ =	shalt  }
0x79: {  	_ =	shalt  }
0x7a: {  	_ =	shalt  }
0x7b: {  	_ =	shalt  }
0x7c: {  	_ =	shalt  }
0x7d: {  	_ =	shalt  }
0x7e: {  	_ =	shalt  }
0x7f: {  	_ =	shalt  }
0x80: {  	_ =	shalt  }
0x81: {  	_ =	shalt  }
0x82: {  	_ =	shalt  }
0x83: {  	_ =	shalt  }
0x84: {  	_ =	shalt  }
0x85: {  	_ =	shalt  }
0x86: {  	_ =	shalt  }
0x87: {  	_ =	shalt  }
.Lfunc_end0:
.L_simem_size_0:
called_computation_lowered:
.L_overlay_start_0:
0x88: {  	s2 =	sld [smem:$0x3FD9]  }
0x89: {  	s3 =	sld [smem:$0x3FFE];
	_ =	sdelay $0x1  }
0x8a: {  	s1 =	srdreg.scid  }
0x8b: {  	s0 =	sand.u32 $0x1, s1  }
0x8c: {  	s17 =	sshll.u32 s0, $0xA;
	s2 =	sadd.s32 s3, s2  }
0x8d: {  	s2 =	sadd.s32 s2, s17  }
0x8e: {  	[smem:$0x3FC4] =	sst s2  }
0x8f: {  	_ = 	snop  }
0x90: {  	s2 =	sld [smem:$0x3FC9]  }
0x91: {  	s18 =	sld [smem:$0x3FC8];
	(tm) =	ssettm $0x1  }
0x92: {  	s4 =	sld [smem:$0x3FFB];
	_ =	sdelay $0x3  }
0x93: {  	_ =	strace s4  }
0x94: {  	s4 =	sld [smem:$0x3FFC];
	_ =	sdelay $0x3  }
0x95: {  	_ =	strace s4  }
0x96: {  	s4 =	sld [smem:$0x3FFD];
	_ =	sdelay $0x3  }
0x97: {  	_ =	strace s4  }
0x98: {  	_ =	strace $0x8FFFFFFF  }
0x99: {  	s19 =	sld [smem:$0x3FDB];
	_ =	sdelay $0x1  }
0x9a: {  	s5 =	simm.s32 $_scs_section_size  }
0x9b: {  	s6 =	simm.s32 $_size__tile_overlayer_lowered;
	s7 =	simm.s32 $_tile_overlayer_lowered  }
0x9c: {  	s22 =	simm.s32 $0x1BFF;
	s21 =	sshll.u32 s7, $0x1;
	s4 =	sadd.s32 s5, s19  }
0x9d: {  	s8 =	simm.s32 $0x0;
	s20 =	sshll.u32 s6, $0x1;
	s6 =	sadd.s32 s21, s4  }
0x9e: {  	[timem:s8], [sflag:s22] =	dma.local [hbm:s6], s20  }
0x9f: {  	_ =	swait.ge [sflag:s22], s20  }
0xa0: {  	s5 =	ssub.s32 $0x0, s20;
	[sflag:s22] =	ssyncset.done $0x0  }
0xa1: {  	[sflag:s22] =	ssyncadd.s32 s5;
	_ =	sdelay $0x1  }
0xa2: {  	s23 =	simm.s32 $0x1B8B  }
0xa3: {  	_ =	swait.ge [sflag:s23], $0x1  }
0xa4: {  	[sflag:s23] =	ssyncset.done $0x0  }
0xa5: {  	s25 =	simm.s32 $0x1B8E;
	s24 =	sld [smem:$0x3FFE];
	[sflag:s23] =	ssyncadd.s32 $0xFFFFFFFF  }
0xa6: {  	s26 =	simm.s32 $execute0_lowered;
	[smem:$0x3FD2] =	sst s25  }
0xa7: {  	s6 =	sshll.u32 s26, $0x1;
	_ =	strace $0x80000046;
	[dreg:$0x1] =	wrdreg $0xFFFFFFFF  }
0xa8: {  	s28 =	simm.s32 $_size_execute0_lowered;
	s4 =	sadd.s32 s4, s6;
	[dreg:$0x0] =	wrdreg $0x0  }
0xa9: {  	s6 =	sshll.u32 s28, $0x1;
	[dreg:$0x2] =	wrdreg s4  }
0xaa: {  	[dreg:$0x3] =	wrdreg s6  }
0xab: {  	[dreg:$0x4] =	wrdreg $0xC0  }
0xac: {  	_ =	task [dreg:s8], $0x5FFFF  }
0xad: {  	[dreg:$0x1] =	wrdreg $0xFFFFFFFF  }
0xae: {  	[dreg:$0x0] =	wrdreg $0x60  }
0xaf: {  	[dreg:$0x2] =	wrdreg s24  }
0xb0: {  	[dreg:$0x3] =	wrdreg s2  }
0xb1: {  	[dreg:$0x4] =	wrdreg s18  }
0xb2: {  	[dreg:$0x5] =	wrdreg $0x9  }
0xb3: {  	_ =	task.clear_ibuf [dreg:s8], $0x6FFFF;
	_ =	strace $0x90000046  }
0xb4: {  	s29 =	simm.s32 $0x9;
	_ =	strace $0x80000048  }
0xb5: {  	_ =	swait.ge [sflag:s29], $0x1  }
0xb6: {  	[sflag:s29] =	ssyncadd.s32 $0xFFFFFFFF  }
0xb7: {  	_ =	strace $0x90000048  }
0xb8: {  	_ =	sfence  }
0xb9: {  	s30 =	sld [smem:$0x0];
	_ =	sdelay $0x2  }
0xba: {  	s31 =	sshll.u32 s1, $0xD;
	s1 =	sshrl.u32 s1, $0x2  }
0xbb: {  	s3 =	sand.u32 $0x4000, s31;
	s1 =	sadd.s32 s1, s30  }
0xbc: {  	s0 =	sor.u32 s3, s0;
	s1 =	sshll.u32 s1, $0x11  }
0xbd: {  	s0 =	sor.u32 s1, s0  }
0xbe: {  	s0 =	sadd.s32 $0x8F2B, s0  }
0xbf: {  	[sflag:s0] =	ssyncadd.remote.s32 $0x1  }
0xc0: {  	_ =	sfence.sel $0xFFFF  }
0xc1: {  	[dreg:$0x0] =	wrdreg $0xFFFFFFFF;
	(pc) =	sbr.abs _section_cstart, $3  }
0xc2: {  	[dreg:$0x1] =	wrdreg $0xFFFFFFFF  }
0xc3: {  	_ =	task.clear_ibuf [dreg:s8], $0x2FFFF;
	_ =	strace $0x9FFFFFFF  }
0xc4: {  	(tm) =	ssettm $0x7FFFFFFF  }
0xc5: {  	_ =	shalt  }
tec
execute0_lowered:
.L_overlay_start_1:
0x0: {  	(tag) =	ssettag $0x1  }
0x1: {  	s5 =	rddreg [dreg:$0x0]  }
0x2: {  	s6 =	rddreg [dreg:$0x1]  }
0x3: {  	s7 =	rddreg [dreg:$0x2];
	s2 =	simm.s32 $0x0  }
0x4: {  	s3 =	srdreg.scid;
	s0 =	stileid.u32;
	s12 =	simm.s32 $0x2  }
0x5: {  	s13 =	simm.s32 $0x3;
	s14 =	simm.s32 $0x4;
	s16 =	simm.s32 $0x0  }
0x6: {  	[smem:$0x7FF] =	sst s2;
	s4 =	sand.u32 $0x1, s3;
	s8 =	sshll.u32 s0, $0xA  }
0x7: {  	s3 =	sadd.s32 $0x800, s5;
	_ =	strace $0x80000047;
	s9 =	sshll.u32 s4, $0x9  }
0x8: {  	s28 =	ssub.s32 $0x2, s4;
	s4 =	sadd.s32 $0xF42C00, s5;
	s8 =	sor.u32 s9, s8  }
0x9: {  	s11 =	sshrl.u32 s28, $0x1;
	s10 =	sshll.u32 s8, $0x4;
	s8 =	sshrl.u32 s8, $0x3  }
0xa: {  	s9 =	ssub.s32 s28, s11;
	s11 =	simm.s32 $0x1;
	s29 =	sadd.s32 s6, s8  }
0xb: {  	s10 =	sadd.s32 s10, s5;
	s31 =	sadd.s32 s7, s8;
	[dreg:$0x4] =	wrdreg s29  }
0xc: {  	s9 =	smax.u32 s9, $0x1;
	s30 =	sadd.s32 $0x1E85000, s10;
	[dreg:$0x6] =	wrdreg s31  }
0xd: {  	s8 =	sadd.s32 $0x1EC5000, s10;
	s10 =	simm.s32 $0x5;
	[dreg:$0x5] =	wrdreg s30  }
.LBB2_1:
0xe: {  	s0 =	rddreg [dreg:$0x4]  }
0xf: {  	[tilespmem:s2], [sflag:$0x5] =	stream.linear.gather [hbm4b:s0+s2], $0x200, $0x38;
	[tilespmem:$0x10200] =	vst v63  }
0x10: {  	_ =	swait.ge [sflag:s10], $0x200  }
0x11: {  	[sflag:s10] =	ssyncset.done $0x0  }
0x12: {  	[sflag:s10] =	ssyncadd.s32 $0xFFFFFE00  }
0x13: {  	v0 =	vld [tilespmem:s2+$0x0];
	_ =	sdelay $0x4  }
0x14: {  	v0 =	vshll.u32 v0, $0x4  }
0x15: {  	(v2sf) =	vpush v0, $0x0  }
0x16: {  	(v2sf) =	vpush v0, $0x1  }
0x17: {  	(v2sf) =	vpush v0, $0x2;
	_ =	sdelay $0x1  }
0x18: {  	(v2sf) =	vpush v0, $0x4;
	_ =	sdelay $0x1  }
0x19: {  	(v2sf) =	vpush v0, $0x3  }
0x1a: {  	(v2sf) =	vpush v0, $0x5  }
0x1b: {  	s18 =	simm.s32 $0x2000;
	s17 =	simm.s32 $0x0;
	s19 =	simm.s32 $0x0;
	(v2sf) =	vpush v0, $0x6  }
.LBB2_2:
0x1c: {  	p0 =	sne.s32 s18, $0x3E000  }
0x1d: {  	s30 =	sadd.s32 $0x280, s17;
	s23 =	sadd.s32 $0x780, s17;
	s20 =	smov.u32 s18  }
0x1e: {  	s18 =	sadd.s32 $0x2000, s18;
	s26 =	sadd.s32 $0x580, s17;
	s21 =	sadd.s32 $0x800, s17;
	(v2sf) =	vpush v0, $0x7  }
0x1f: {  	s29 =	sadd.s32 $0x480, s17;
	s25 =	sadd.s32 $0x600, s17;
	s22 =	sadd.s32 $0x880, s17  }
0x20: {  	s31 =	sadd.s32 $0x200, s17;
	s0 =	sadd.s32 $0x400, s17;
	(v2sf) =	vpush v0, $0x8  }
0x21: {  	s1 =	sadd.s32 $0x500, s17;
	s19 =	sadd.s32 $0x10, s19  }
0x22: {  	s5 =	sadd.s32 $0x300, s17;
	s24 =	sadd.s32 $0x700, s17;
	s28 =	spop (v2sf);
	(v2sf) =	vpush v0, $0x9  }
0x23: {  	s15 =	sand.u32 $0x1FFFFFF0, s28;
	s28 =	sadd.s32 $0x680, s17;
	s6 =	spop (v2sf)  }
0x24: {  	s15 =	sadd.s32 s3, s15;
	s6 =	sand.u32 $0x1FFFFFF0, s6;
	s7 =	spop (v2sf);
	(v2sf) =	vpush v0, $0xA  }
0x25: {  	[tilespmem:s31], [sflag:$0x1] =	stream.linear.gather [hbm4b:s15+s2], $0x80, $0x38;
	[tilespmem:$0x10200] =	vst v63  }
0x26: {  	s6 =	sadd.s32 s3, s6;
	s15 =	sadd.s32 $0x380, s17;
	s31 =	spop (v2sf);
	(v2sf) =	vpush v0, $0xB  }
0x27: {  	[tilespmem:s30], [sflag:$0x2] =	stream.linear.gather [hbm4b:s6+s2], $0x80, $0x38;
	[tilespmem:$0x10200] =	vst v63  }
0x28: {  	s6 =	sand.u32 $0x1FFFFFF0, s7;
	s7 =	sand.u32 $0x1FFFFFF0, s31;
	s30 =	spop (v2sf);
	(v2sf) =	vpush v0, $0xC  }
0x29: {  	s6 =	sadd.s32 s3, s6;
	s30 =	sand.u32 $0x1FFFFFF0, s30;
	s31 =	spop (v2sf)  }
0x2a: {  	[tilespmem:s5], [sflag:$0x3] =	stream.linear.gather [hbm4b:s6+s2], $0x80, $0x38;
	(v2sf) =	vpush v0, $0xD;
	[tilespmem:$0x10200] =	vst v63  }
0x2b: {  	s5 =	sadd.s32 s3, s30;
	s6 =	sand.u32 $0x1FFFFFF0, s31;
	s30 =	spop (v2sf)  }
0x2c: {  	[tilespmem:s15], [sflag:$0x4] =	stream.linear.gather [hbm4b:s5+s2], $0x80, $0x38;
	(v2sf) =	vpush v0, $0xE;
	[tilespmem:$0x10200] =	vst v63  }
0x2d: {  	s5 =	sadd.s32 s3, s7;
	s7 =	sand.u32 $0x1FFFFFF0, s30;
	s15 =	spop (v2sf)  }
0x2e: {  	[tilespmem:s0], [sflag:$0x1] =	stream.linear.gather [hbm4b:s5+s2], $0x80, $0x38;
	(v2sf) =	vpush v0, $0xF;
	[tilespmem:$0x10200] =	vst v63  }
0x2f: {  	s0 =	sadd.s32 s3, s6;
	s5 =	sand.u32 $0x1FFFFFF0, s15;
	s6 =	spop (v2sf)  }
0x30: {  	[tilespmem:s29], [sflag:$0x2] =	stream.linear.gather [hbm4b:s0+s2], $0x80, $0x38;
	[tilespmem:$0x10200] =	vst v63  }
0x31: {  	s0 =	sadd.s32 s3, s7;
	s6 =	sand.u32 $0x1FFFFFF0, s6;
	s7 =	spop (v2sf)  }
0x32: {  	[tilespmem:s1], [sflag:$0x3] =	stream.linear.gather [hbm4b:s0+s2], $0x80, $0x38;
	[tilespmem:$0x10200] =	vst v63  }
0x33: {  	s0 =	sadd.s32 s3, s5;
	s1 =	sand.u32 $0x1FFFFFF0, s7;
	s5 =	spop (v2sf)  }
0x34: {  	[tilespmem:s26], [sflag:$0x4] =	stream.linear.gather [hbm4b:s0+s2], $0x80, $0x38;
	[tilespmem:$0x10200] =	vst v63  }
0x35: {  	s0 =	sadd.s32 s3, s6;
	s5 =	sand.u32 $0x1FFFFFF0, s5;
	s6 =	spop (v2sf)  }
0x36: {  	[tilespmem:s25], [sflag:$0x1] =	stream.linear.gather [hbm4b:s0+s2], $0x80, $0x38;
	[tilespmem:$0x10200] =	vst v63  }
0x37: {  	s0 =	sadd.s32 s3, s1;
	s1 =	sand.u32 $0x1FFFFFF0, s6;
	s6 =	spop (v2sf)  }
0x38: {  	[tilespmem:s28], [sflag:$0x2] =	stream.linear.gather [hbm4b:s0+s2], $0x80, $0x38;
	[tilespmem:$0x10200] =	vst v63  }
0x39: {  	s0 =	sadd.s32 s3, s5;
	s5 =	sand.u32 $0x1FFFFFF0, s6;
	s6 =	spop (v2sf)  }
0x3a: {  	[tilespmem:s24], [sflag:$0x3] =	stream.linear.gather [hbm4b:s0+s2], $0x80, $0x38;
	[tilespmem:$0x10200] =	vst v63  }
0x3b: {  	s0 =	sadd.s32 s3, s1;
	s1 =	sand.u32 $0x1FFFFFF0, s6;
	s6 =	spop (v2sf)  }
0x3c: {  	[tilespmem:s23], [sflag:$0x4] =	stream.linear.gather [hbm4b:s0+s2], $0x80, $0x38;
	[tilespmem:$0x10200] =	vst v63  }
0x3d: {  	s0 =	sadd.s32 s3, s5;
	s5 =	sand.u32 $0x1FFFFFF0, s6;
	s6 =	spop (v2sf)  }
0x3e: {  	[tilespmem:s21], [sflag:$0x1] =	stream.linear.gather [hbm4b:s0+s2], $0x80, $0x38;
	[tilespmem:$0x10200] =	vst v63  }
0x3f: {  	s0 =	sadd.s32 s3, s1;
	s1 =	sand.u32 $0x1FFFFFF0, s6  }
0x40: {  	[tilespmem:s22], [sflag:$0x2] =	stream.linear.gather [hbm4b:s0+s2], $0x80, $0x38;
	[tilespmem:$0x10200] =	vst v63  }
0x41: {  	s5 =	sadd.s32 s3, s5;
	s0 =	sadd.s32 $0x900, s17  }
0x42: {  	[tilespmem:s0], [sflag:$0x3] =	stream.linear.gather [hbm4b:s5+s2], $0x80, $0x38;
	[tilespmem:$0x10200] =	vst v63  }
0x43: {  	s1 =	sadd.s32 s3, s1;
	s0 =	sadd.s32 $0x980, s17  }
0x44: {  	[tilespmem:s0], [sflag:$0x4] =	stream.linear.gather [hbm4b:s1+s2], $0x80, $0x38;
	[tilespmem:$0x10200] =	vst v63  }
0x45: {  	v0 =	vld [tilespmem:s19+$0x0];
	_ =	sdelay $0x4  }
0x46: {  	v0 =	vshll.u32 v0, $0x4  }
0x47: {  	(v2sf) =	vpush v0, $0x0  }
0x48: {  	(v2sf) =	vpush v0, $0x1  }
0x49: {  	(v2sf) =	vpush v0, $0x2;
	_ =	sdelay $0x1  }
0x4a: {  	(v2sf) =	vpush v0, $0x4  }
.Ltmp0:
0x4b: {  	(pc) =	sbr.rel @p0 .LBB2_2-.Ltmp0, $3  }
0x4c: {  	(v2sf) =	vpush v0, $0x3  }
0x4d: {  	(v2sf) =	vpush v0, $0x5;
	_ =	sdelay $0x1  }
0x4e: {  	s17 =	sshra.s32 s20, $0x2;
	(v2sf) =	vpush v0, $0x6  }
0x4f: {  	_ =	sdelay $0x4  }
0x50: {  	s0 =	spop (v2sf)  }
0x51: {  	s0 =	sand.u32 $0x1FFFFFF0, s0  }
0x52: {  	s5 =	sadd.s32 $0x200, s17;
	(v2sf) =	vpush v0, $0x7;
	s1 =	spop (v2sf);
	s0 =	sadd.s32 s3, s0  }
0x53: {  	[tilespmem:s5], [sflag:$0x1] =	stream.linear.gather [hbm4b:s0+s2], $0x80, $0x38;
	[tilespmem:$0x10200] =	vst v63  }
0x54: {  	s1 =	sand.u32 $0x1FFFFFF0, s1;
	s6 =	spop (v2sf);
	s5 =	sadd.s32 $0x280, s17  }
0x55: {  	s1 =	sadd.s32 s3, s1;
	s7 =	sand.u32 $0x1FFFFFF0, s6;
	s18 =	spop (v2sf)  }
0x56: {  	[tilespmem:s5], [sflag:$0x2] =	stream.linear.gather [hbm4b:s1+s2], $0x80, $0x38;
	[tilespmem:$0x10200] =	vst v63  }
0x57: {  	s15 =	sadd.s32 $0x300, s17;
	s0 =	sadd.s32 s3, s7;
	s19 =	spop (v2sf);
	(v2sf) =	vpush v0, $0x8  }
0x58: {  	[tilespmem:s15], [sflag:$0x3] =	stream.linear.gather [hbm4b:s0+s2], $0x80, $0x38;
	[tilespmem:$0x10200] =	vst v63  }
0x59: {  	s0 =	sand.u32 $0x1FFFFFF0, s19;
	(v2sf) =	vpush v0, $0x9  }
0x5a: {  	s20 =	sadd.s32 $0x380, s17;
	s21 =	sand.u32 $0x1FFFFFF0, s18;
	s0 =	sadd.s32 s3, s0  }
0x5b: {  	(v2sf) =	vpush v0, $0xA;
	[tilespmem:s20], [sflag:$0x4] =	stream.linear.gather [hbm4b:s0+s2], $0x80, $0x38;
	[tilespmem:$0x10200] =	vst v63  }
0x5c: {  	s22 =	sadd.s32 $0x400, s17;
	s23 =	spop (v2sf);
	s0 =	sadd.s32 s3, s21  }
0x5d: {  	[tilespmem:s22], [sflag:$0x1] =	stream.linear.gather [hbm4b:s0+s2], $0x80, $0x38;
	[tilespmem:$0x10200] =	vst v63  }
0x5e: {  	s0 =	sand.u32 $0x1FFFFFF0, s23  }
0x5f: {  	s24 =	sadd.s32 $0x480, s17;
	s25 =	spop (v2sf);
	s0 =	sadd.s32 s3, s0  }
0x60: {  	[tilespmem:s24], [sflag:$0x2] =	stream.linear.gather [hbm4b:s0+s2], $0x80, $0x38;
	[tilespmem:$0x10200] =	vst v63  }
0x61: {  	s28 =	spop (v2sf);
	(v2sf) =	vpush v0, $0xB  }
0x62: {  	s0 =	sand.u32 $0x1FFFFFF0, s25  }
0x63: {  	s26 =	sadd.s32 $0x500, s17;
	s0 =	sadd.s32 s3, s0  }
0x64: {  	[tilespmem:s26], [sflag:$0x3] =	stream.linear.gather [hbm4b:s0+s2], $0x80, $0x38;
	[tilespmem:$0x10200] =	vst v63  }
0x65: {  	s0 =	sand.u32 $0x1FFFFFF0, s28  }
0x66: {  	s29 =	sadd.s32 $0x580, s17;
	s0 =	sadd.s32 s3, s0;
	s30 =	spop (v2sf);
	(v2sf) =	vpush v0, $0xC  }
0x67: {  	[tilespmem:s29], [sflag:$0x4] =	stream.linear.gather [hbm4b:s0+s2], $0x80, $0x38;
	[tilespmem:$0x10200] =	vst v63  }
0x68: {  	s5 =	spop (v2sf);
	(v2sf) =	vpush v0, $0xD  }
0x69: {  	s0 =	sand.u32 $0x1FFFFFF0, s30  }
0x6a: {  	s31 =	sadd.s32 $0x600, s17;
	s0 =	sadd.s32 s3, s0;
	s7 =	spop (v2sf)  }
0x6b: {  	(v2sf) =	vpush v0, $0xE;
	[tilespmem:s31], [sflag:$0x1] =	stream.linear.gather [hbm4b:s0+s2], $0x80, $0x38;
	[tilespmem:$0x10200] =	vst v63  }
0x6c: {  	s0 =	sand.u32 $0x1FFFFFF0, s5  }
0x6d: {  	s6 =	sadd.s32 $0x680, s17;
	s0 =	sadd.s32 s3, s0  }
0x6e: {  	[tilespmem:s6], [sflag:$0x2] =	stream.linear.gather [hbm4b:s0+s2], $0x80, $0x38;
	[tilespmem:$0x10200] =	vst v63  }
0x6f: {  	s0 =	sand.u32 $0x1FFFFFF0, s7  }
0x70: {  	s15 =	sadd.s32 $0x700, s17;
	s0 =	sadd.s32 s3, s0;
	s18 =	spop (v2sf);
	(v2sf) =	vpush v0, $0xF  }
0x71: {  	[tilespmem:s15], [sflag:$0x3] =	stream.linear.gather [hbm4b:s0+s2], $0x80, $0x38;
	[tilespmem:$0x10200] =	vst v63  }
0x72: {  	s0 =	sand.u32 $0x1FFFFFF0, s18  }
0x73: {  	s19 =	sadd.s32 $0x780, s17;
	s0 =	sadd.s32 s3, s0  }
0x74: {  	[tilespmem:s19], [sflag:$0x4] =	stream.linear.gather [hbm4b:s0+s2], $0x80, $0x38;
	[tilespmem:$0x10200] =	vst v63  }
0x75: {  	s20 =	spop (v2sf)  }
0x76: {  	s0 =	sand.u32 $0x1FFFFFF0, s20  }
0x77: {  	s21 =	sadd.s32 $0x800, s17;
	s22 =	spop (v2sf);
	s0 =	sadd.s32 s3, s0  }
0x78: {  	[tilespmem:s21], [sflag:$0x1] =	stream.linear.gather [hbm4b:s0+s2], $0x80, $0x38;
	[tilespmem:$0x10200] =	vst v63  }
0x79: {  	s0 =	sand.u32 $0x1FFFFFF0, s22  }
0x7a: {  	s23 =	sadd.s32 $0x880, s17;
	s24 =	spop (v2sf);
	s0 =	sadd.s32 s3, s0  }
0x7b: {  	[tilespmem:s23], [sflag:$0x2] =	stream.linear.gather [hbm4b:s0+s2], $0x80, $0x38;
	[tilespmem:$0x10200] =	vst v63  }
0x7c: {  	s0 =	sand.u32 $0x1FFFFFF0, s24  }
0x7d: {  	s25 =	sadd.s32 $0x900, s17;
	s0 =	sadd.s32 s3, s0  }
0x7e: {  	[tilespmem:s25], [sflag:$0x3] =	stream.linear.gather [hbm4b:s0+s2], $0x80, $0x38;
	[tilespmem:$0x10200] =	vst v63  }
0x7f: {  	s26 =	spop (v2sf)  }
0x80: {  	s0 =	sand.u32 $0x1FFFFFF0, s26  }
0x81: {  	s28 =	sadd.s32 $0x980, s17;
	s0 =	sadd.s32 s3, s0  }
0x82: {  	[tilespmem:s28], [sflag:$0x4] =	stream.linear.gather [hbm4b:s0+s2], $0x80, $0x38;
	[tilespmem:$0x10200] =	vst v63  }
0x83: {  	_ =	swait.ge [sflag:s11], $0x4000  }
0x84: {  	[sflag:s11] =	ssyncset.done $0x0  }
0x85: {  	[sflag:s11] =	ssyncadd.s32 $0xFFFFC000  }
0x86: {  	_ =	swait.ge [sflag:s12], $0x4000  }
0x87: {  	[sflag:s12] =	ssyncset.done $0x0  }
0x88: {  	[sflag:s12] =	ssyncadd.s32 $0xFFFFC000  }
0x89: {  	_ =	swait.ge [sflag:s13], $0x4000  }
0x8a: {  	[sflag:s13] =	ssyncset.done $0x0  }
0x8b: {  	[sflag:s13] =	ssyncadd.s32 $0xFFFFC000  }
0x8c: {  	_ =	swait.ge [sflag:s14], $0x4000  }
0x8d: {  	s30 =	simm.s32 $0x200;
	[sflag:s14] =	ssyncset.done $0x0  }
0x8e: {  	s18 =	simm.s32 $0x0;
	s29 =	rddreg [dreg:$0x5];
	[sflag:s14] =	ssyncadd.s32 $0xFFFFC000  }
0x8f: {  	[hbm4b:s29+s18] =	stream.linear.scatter [tilespmem:s30], [sflag:$0x5], $0x10000, $0x38;
	[tilespmem:$0x10200] =	vst v63  }
0x90: {  	_ =	swait.ge [sflag:s10], $0x10000  }
0x91: {  	[sflag:s10] =	ssyncset.done $0x0  }
0x92: {  	s31 =	rddreg [dreg:$0x6];
	[sflag:s10] =	ssyncadd.s32 $0xFFFF0000  }
0x93: {  	[tilespmem:s18], [sflag:$0x5] =	stream.linear.gather [hbm4b:s31+s18], $0x200, $0x38;
	[tilespmem:$0x10200] =	vst v63  }
0x94: {  	_ =	swait.ge [sflag:s10], $0x200  }
0x95: {  	[sflag:s10] =	ssyncset.done $0x0  }
0x96: {  	[sflag:s10] =	ssyncadd.s32 $0xFFFFFE00  }
0x97: {  	v0 =	vld [tilespmem:s18+$0x0];
	_ =	sdelay $0x4  }
0x98: {  	v0 =	vshll.u32 v0, $0x4  }
0x99: {  	(v2sf) =	vpush v0, $0x0  }
0x9a: {  	(v2sf) =	vpush v0, $0x1  }
0x9b: {  	(v2sf) =	vpush v0, $0x2;
	_ =	sdelay $0x1  }
0x9c: {  	(v2sf) =	vpush v0, $0x4;
	_ =	sdelay $0x1  }
0x9d: {  	(v2sf) =	vpush v0, $0x3  }
0x9e: {  	(v2sf) =	vpush v0, $0x5  }
0x9f: {  	s17 =	simm.s32 $0x0;
	s19 =	simm.s32 $0x2000;
	(v2sf) =	vpush v0, $0x6  }
.LBB2_4:
0xa0: {  	p0 =	sne.s32 s19, $0x3E000  }
0xa1: {  	s0 =	sadd.s32 $0x280, s17;
	s23 =	sadd.s32 $0x780, s17;
	s20 =	smov.u32 s19  }
0xa2: {  	s19 =	sadd.s32 $0x2000, s19;
	s26 =	sadd.s32 $0x580, s17;
	s21 =	sadd.s32 $0x800, s17;
	(v2sf) =	vpush v0, $0x7  }
0xa3: {  	s29 =	sadd.s32 $0x480, s17;
	s25 =	sadd.s32 $0x600, s17;
	s22 =	sadd.s32 $0x880, s17  }
0xa4: {  	s1 =	sadd.s32 $0x200, s17;
	s5 =	sadd.s32 $0x400, s17;
	(v2sf) =	vpush v0, $0x8  }
0xa5: {  	s6 =	sadd.s32 $0x500, s17;
	s18 =	sadd.s32 $0x10, s18  }
0xa6: {  	s7 =	sadd.s32 $0x300, s17;
	s24 =	sadd.s32 $0x700, s17;
	s15 =	spop (v2sf);
	(v2sf) =	vpush v0, $0x9  }
0xa7: {  	s28 =	sadd.s32 $0x680, s17;
	s15 =	sand.u32 $0x1FFFFFF0, s15;
	s30 =	spop (v2sf)  }
0xa8: {  	s15 =	sadd.s32 s4, s15;
	s30 =	sand.u32 $0x1FFFFFF0, s30;
	s31 =	spop (v2sf);
	(v2sf) =	vpush v0, $0xA  }
0xa9: {  	[tilespmem:s1], [sflag:$0x1] =	stream.linear.gather [hbm4b:s15+s2], $0x80, $0x38;
	[tilespmem:$0x10200] =	vst v63  }
0xaa: {  	s1 =	sadd.s32 s4, s30;
	s15 =	sadd.s32 $0x380, s17;
	s30 =	spop (v2sf);
	(v2sf) =	vpush v0, $0xB  }
0xab: {  	[tilespmem:s0], [sflag:$0x2] =	stream.linear.gather [hbm4b:s1+s2], $0x80, $0x38;
	[tilespmem:$0x10200] =	vst v63  }
0xac: {  	s0 =	sand.u32 $0x1FFFFFF0, s31;
	s1 =	sand.u32 $0x1FFFFFF0, s30;
	s30 =	spop (v2sf);
	(v2sf) =	vpush v0, $0xC  }
0xad: {  	s0 =	sadd.s32 s4, s0;
	s30 =	sand.u32 $0x1FFFFFF0, s30;
	s31 =	spop (v2sf)  }
0xae: {  	[tilespmem:s7], [sflag:$0x3] =	stream.linear.gather [hbm4b:s0+s2], $0x80, $0x38;
	(v2sf) =	vpush v0, $0xD;
	[tilespmem:$0x10200] =	vst v63  }
0xaf: {  	s0 =	sadd.s32 s4, s30;
	s7 =	sand.u32 $0x1FFFFFF0, s31;
	s30 =	spop (v2sf)  }
0xb0: {  	[tilespmem:s15], [sflag:$0x4] =	stream.linear.gather [hbm4b:s0+s2], $0x80, $0x38;
	(v2sf) =	vpush v0, $0xE;
	[tilespmem:$0x10200] =	vst v63  }
0xb1: {  	s0 =	sadd.s32 s4, s1;
	s1 =	sand.u32 $0x1FFFFFF0, s30;
	s15 =	spop (v2sf)  }
0xb2: {  	[tilespmem:s5], [sflag:$0x1] =	stream.linear.gather [hbm4b:s0+s2], $0x80, $0x38;
	(v2sf) =	vpush v0, $0xF;
	[tilespmem:$0x10200] =	vst v63  }
0xb3: {  	s0 =	sadd.s32 s4, s7;
	s5 =	sand.u32 $0x1FFFFFF0, s15;
	s7 =	spop (v2sf)  }
0xb4: {  	[tilespmem:s29], [sflag:$0x2] =	stream.linear.gather [hbm4b:s0+s2], $0x80, $0x38;
	[tilespmem:$0x10200] =	vst v63  }
0xb5: {  	s0 =	sadd.s32 s4, s1;
	s1 =	sand.u32 $0x1FFFFFF0, s7;
	s7 =	spop (v2sf)  }
0xb6: {  	[tilespmem:s6], [sflag:$0x3] =	stream.linear.gather [hbm4b:s0+s2], $0x80, $0x38;
	[tilespmem:$0x10200] =	vst v63  }
0xb7: {  	s0 =	sadd.s32 s4, s5;
	s5 =	sand.u32 $0x1FFFFFF0, s7;
	s6 =	spop (v2sf)  }
0xb8: {  	[tilespmem:s26], [sflag:$0x4] =	stream.linear.gather [hbm4b:s0+s2], $0x80, $0x38;
	[tilespmem:$0x10200] =	vst v63  }
0xb9: {  	s0 =	sadd.s32 s4, s1;
	s1 =	sand.u32 $0x1FFFFFF0, s6;
	s6 =	spop (v2sf)  }
0xba: {  	[tilespmem:s25], [sflag:$0x1] =	stream.linear.gather [hbm4b:s0+s2], $0x80, $0x38;
	[tilespmem:$0x10200] =	vst v63  }
0xbb: {  	s0 =	sadd.s32 s4, s5;
	s5 =	sand.u32 $0x1FFFFFF0, s6;
	s6 =	spop (v2sf)  }
0xbc: {  	[tilespmem:s28], [sflag:$0x2] =	stream.linear.gather [hbm4b:s0+s2], $0x80, $0x38;
	[tilespmem:$0x10200] =	vst v63  }
0xbd: {  	s0 =	sadd.s32 s4, s1;
	s1 =	sand.u32 $0x1FFFFFF0, s6;
	s6 =	spop (v2sf)  }
0xbe: {  	[tilespmem:s24], [sflag:$0x3] =	stream.linear.gather [hbm4b:s0+s2], $0x80, $0x38;
	[tilespmem:$0x10200] =	vst v63  }
0xbf: {  	s0 =	sadd.s32 s4, s5;
	s5 =	sand.u32 $0x1FFFFFF0, s6;
	s6 =	spop (v2sf)  }
0xc0: {  	[tilespmem:s23], [sflag:$0x4] =	stream.linear.gather [hbm4b:s0+s2], $0x80, $0x38;
	[tilespmem:$0x10200] =	vst v63  }
0xc1: {  	s0 =	sadd.s32 s4, s1;
	s1 =	sand.u32 $0x1FFFFFF0, s6;
	s6 =	spop (v2sf)  }
0xc2: {  	[tilespmem:s21], [sflag:$0x1] =	stream.linear.gather [hbm4b:s0+s2], $0x80, $0x38;
	[tilespmem:$0x10200] =	vst v63  }
0xc3: {  	s0 =	sadd.s32 s4, s5;
	s5 =	sand.u32 $0x1FFFFFF0, s6  }
0xc4: {  	[tilespmem:s22], [sflag:$0x2] =	stream.linear.gather [hbm4b:s0+s2], $0x80, $0x38;
	[tilespmem:$0x10200] =	vst v63  }
0xc5: {  	s1 =	sadd.s32 s4, s1;
	s0 =	sadd.s32 $0x900, s17  }
0xc6: {  	[tilespmem:s0], [sflag:$0x3] =	stream.linear.gather [hbm4b:s1+s2], $0x80, $0x38;
	[tilespmem:$0x10200] =	vst v63  }
0xc7: {  	s0 =	sadd.s32 $0x980, s17;
	s1 =	sadd.s32 s4, s5  }
0xc8: {  	[tilespmem:s0], [sflag:$0x4] =	stream.linear.gather [hbm4b:s1+s2], $0x80, $0x38;
	[tilespmem:$0x10200] =	vst v63  }
0xc9: {  	v0 =	vld [tilespmem:s18+$0x0];
	_ =	sdelay $0x4  }
0xca: {  	v0 =	vshll.u32 v0, $0x4  }
0xcb: {  	(v2sf) =	vpush v0, $0x0  }
0xcc: {  	(v2sf) =	vpush v0, $0x1  }
0xcd: {  	(v2sf) =	vpush v0, $0x2;
	_ =	sdelay $0x1  }
0xce: {  	(v2sf) =	vpush v0, $0x4  }
.Ltmp1:
0xcf: {  	(pc) =	sbr.rel @p0 .LBB2_4-.Ltmp1, $3  }
0xd0: {  	(v2sf) =	vpush v0, $0x3  }
0xd1: {  	(v2sf) =	vpush v0, $0x5;
	_ =	sdelay $0x1  }
0xd2: {  	s17 =	sshra.s32 s20, $0x2;
	(v2sf) =	vpush v0, $0x6  }
0xd3: {  	_ =	sdelay $0x5  }
0xd4: {  	s0 =	spop (v2sf)  }
0xd5: {  	s1 =	spop (v2sf)  }
0xd6: {  	s15 =	spop (v2sf)  }
0xd7: {  	s20 =	spop (v2sf);
	(v2sf) =	vpush v0, $0x7  }
0xd8: {  	s0 =	sand.u32 $0x1FFFFFF0, s0  }
0xd9: {  	s5 =	sadd.s32 $0x200, s17;
	s0 =	sadd.s32 s4, s0  }
0xda: {  	[tilespmem:s5], [sflag:$0x1] =	stream.linear.gather [hbm4b:s0+s2], $0x80, $0x38;
	[tilespmem:$0x10200] =	vst v63  }
0xdb: {  	s1 =	sand.u32 $0x1FFFFFF0, s1;
	s21 =	spop (v2sf);
	(v2sf) =	vpush v0, $0x8  }
0xdc: {  	s7 =	sadd.s32 $0x280, s17;
	s1 =	sadd.s32 s4, s1  }
0xdd: {  	[tilespmem:s7], [sflag:$0x2] =	stream.linear.gather [hbm4b:s1+s2], $0x80, $0x38;
	[tilespmem:$0x10200] =	vst v63  }
0xde: {  	s18 =	sand.u32 $0x1FFFFFF0, s15;
	s25 =	spop (v2sf);
	(v2sf) =	vpush v0, $0x9  }
0xdf: {  	s19 =	sadd.s32 $0x300, s17;
	s0 =	sadd.s32 s4, s18  }
0xe0: {  	[tilespmem:s19], [sflag:$0x3] =	stream.linear.gather [hbm4b:s0+s2], $0x80, $0x38;
	[tilespmem:$0x10200] =	vst v63  }
0xe1: {  	s0 =	sand.u32 $0x1FFFFFF0, s21;
	s28 =	spop (v2sf);
	(v2sf) =	vpush v0, $0xA  }
0xe2: {  	s22 =	sadd.s32 $0x380, s17;
	s23 =	sand.u32 $0x1FFFFFF0, s20;
	s0 =	sadd.s32 s4, s0  }
0xe3: {  	[tilespmem:s22], [sflag:$0x4] =	stream.linear.gather [hbm4b:s0+s2], $0x80, $0x38;
	[tilespmem:$0x10200] =	vst v63  }
0xe4: {  	s24 =	sadd.s32 $0x400, s17;
	s0 =	sadd.s32 s4, s23  }
0xe5: {  	[tilespmem:s24], [sflag:$0x1] =	stream.linear.gather [hbm4b:s0+s2], $0x80, $0x38;
	[tilespmem:$0x10200] =	vst v63  }
0xe6: {  	s0 =	sand.u32 $0x1FFFFFF0, s25;
	s30 =	spop (v2sf);
	(v2sf) =	vpush v0, $0xB  }
0xe7: {  	s26 =	sadd.s32 $0x480, s17;
	s0 =	sadd.s32 s4, s0  }
0xe8: {  	[tilespmem:s26], [sflag:$0x2] =	stream.linear.gather [hbm4b:s0+s2], $0x80, $0x38;
	[tilespmem:$0x10200] =	vst v63  }
0xe9: {  	s0 =	sand.u32 $0x1FFFFFF0, s28  }
0xea: {  	s29 =	sadd.s32 $0x500, s17;
	s0 =	sadd.s32 s4, s0;
	s5 =	spop (v2sf);
	(v2sf) =	vpush v0, $0xC  }
0xeb: {  	[tilespmem:s29], [sflag:$0x3] =	stream.linear.gather [hbm4b:s0+s2], $0x80, $0x38;
	[tilespmem:$0x10200] =	vst v63  }
0xec: {  	s0 =	sand.u32 $0x1FFFFFF0, s30  }
0xed: {  	s31 =	sadd.s32 $0x580, s17;
	s0 =	sadd.s32 s4, s0;
	s7 =	spop (v2sf);
	(v2sf) =	vpush v0, $0xD  }
0xee: {  	[tilespmem:s31], [sflag:$0x4] =	stream.linear.gather [hbm4b:s0+s2], $0x80, $0x38;
	[tilespmem:$0x10200] =	vst v63  }
0xef: {  	s0 =	sand.u32 $0x1FFFFFF0, s5  }
0xf0: {  	s6 =	sadd.s32 $0x600, s17;
	s0 =	sadd.s32 s4, s0;
	s18 =	spop (v2sf);
	(v2sf) =	vpush v0, $0xE  }
0xf1: {  	[tilespmem:s6], [sflag:$0x1] =	stream.linear.gather [hbm4b:s0+s2], $0x80, $0x38;
	[tilespmem:$0x10200] =	vst v63  }
0xf2: {  	s0 =	sand.u32 $0x1FFFFFF0, s7  }
0xf3: {  	s15 =	sadd.s32 $0x680, s17;
	s0 =	sadd.s32 s4, s0  }
0xf4: {  	[tilespmem:s15], [sflag:$0x2] =	stream.linear.gather [hbm4b:s0+s2], $0x80, $0x38;
	[tilespmem:$0x10200] =	vst v63  }
0xf5: {  	s0 =	sand.u32 $0x1FFFFFF0, s18;
	s20 =	spop (v2sf);
	(v2sf) =	vpush v0, $0xF  }
0xf6: {  	s19 =	sadd.s32 $0x700, s17;
	s0 =	sadd.s32 s4, s0  }
0xf7: {  	[tilespmem:s19], [sflag:$0x3] =	stream.linear.gather [hbm4b:s0+s2], $0x80, $0x38;
	[tilespmem:$0x10200] =	vst v63  }
0xf8: {  	s0 =	sand.u32 $0x1FFFFFF0, s20  }
0xf9: {  	s21 =	sadd.s32 $0x780, s17;
	s0 =	sadd.s32 s4, s0;
	s22 =	spop (v2sf)  }
0xfa: {  	[tilespmem:s21], [sflag:$0x4] =	stream.linear.gather [hbm4b:s0+s2], $0x80, $0x38;
	[tilespmem:$0x10200] =	vst v63  }
0xfb: {  	s0 =	sand.u32 $0x1FFFFFF0, s22  }
0xfc: {  	s23 =	sadd.s32 $0x800, s17;
	s24 =	spop (v2sf);
	s0 =	sadd.s32 s4, s0  }
0xfd: {  	[tilespmem:s23], [sflag:$0x1] =	stream.linear.gather [hbm4b:s0+s2], $0x80, $0x38;
	[tilespmem:$0x10200] =	vst v63  }
0xfe: {  	s0 =	sand.u32 $0x1FFFFFF0, s24  }
0xff: {  	s25 =	sadd.s32 $0x880, s17;
	s26 =	spop (v2sf);
	s0 =	sadd.s32 s4, s0  }
0x100: {  	[tilespmem:s25], [sflag:$0x2] =	stream.linear.gather [hbm4b:s0+s2], $0x80, $0x38;
	[tilespmem:$0x10200] =	vst v63  }
0x101: {  	s0 =	sand.u32 $0x1FFFFFF0, s26  }
0x102: {  	s28 =	sadd.s32 $0x900, s17;
	s0 =	sadd.s32 s4, s0  }
0x103: {  	[tilespmem:s28], [sflag:$0x3] =	stream.linear.gather [hbm4b:s0+s2], $0x80, $0x38;
	[tilespmem:$0x10200] =	vst v63  }
0x104: {  	s29 =	spop (v2sf)  }
0x105: {  	s0 =	sand.u32 $0x1FFFFFF0, s29  }
0x106: {  	s30 =	sadd.s32 $0x980, s17;
	s0 =	sadd.s32 s4, s0  }
0x107: {  	[tilespmem:s30], [sflag:$0x4] =	stream.linear.gather [hbm4b:s0+s2], $0x80, $0x38;
	[tilespmem:$0x10200] =	vst v63  }
0x108: {  	_ =	swait.ge [sflag:s11], $0x4000  }
0x109: {  	[sflag:s11] =	ssyncset.done $0x0  }
0x10a: {  	[sflag:s11] =	ssyncadd.s32 $0xFFFFC000  }
0x10b: {  	_ =	swait.ge [sflag:s12], $0x4000  }
0x10c: {  	[sflag:s12] =	ssyncset.done $0x0  }
0x10d: {  	[sflag:s12] =	ssyncadd.s32 $0xFFFFC000  }
0x10e: {  	_ =	swait.ge [sflag:s13], $0x4000  }
0x10f: {  	[sflag:s13] =	ssyncset.done $0x0  }
0x110: {  	[sflag:s13] =	ssyncadd.s32 $0xFFFFC000  }
0x111: {  	s16 =	sadd.s32 $0x1, s16;
	_ =	swait.ge [sflag:s14], $0x4000  }
0x112: {  	p0 =	sne.s32 s16, s9;
	[sflag:s14] =	ssyncset.done $0x0  }
.Ltmp2:
0x113: {  	s31 =	simm.s32 $0x200;
	[sflag:s14] =	ssyncadd.s32 $0xFFFFC000;
	(pc) =	sbr.rel @p0 .LBB2_1-.Ltmp2, $4  }
0x114: {  	[hbm4b:s8+s2] =	stream.linear.scatter [tilespmem:s31], [sflag:$0x5], $0x10000, $0x38;
	[tilespmem:$0x10200] =	vst v63  }
0x115: {  	_ =	swait.ge [sflag:s10], $0x10000  }
0x116: {  	[sflag:s10] =	ssyncset.done $0x0  }
0x117: {  	[sflag:s10] =	ssyncadd.s32 $0xFFFF0000  }
0x118: {  	_ =	sfence.sel $0x180000  }
0x119: {  	[bflag:$0x0] =	sbarrier.arrive $0xFFFF  }
0x11a: {  	_ =	strace $0x90000047  }
0x11b: {  	s0 =	stileid.u32;
	[bflag:$0x2] =	sbarrier.arrive $0xFFFF  }
0x11c: {  	p0 =	sne.s32 s0, $0x0;
	s0 =	rddreg [dreg:$0x3]  }
0x11d: {  	s0 =	sadd.s32 @!p0 $0x100000, s0  }
0x11e: {  	[sflag:s0] =	ssyncadd.tile.s32 @!p0 $0x1;
	_ =	shalt  }
.Lfunc_end2:
_tile_overlayer_lowered:
.L_overlay_start_2:
0x11f: {  	(tag) =	ssettag $0x2  }
0x120: {  	s0 =	rddreg [dreg:$0x0];
	s2 =	stileid.u32  }
0x121: {  	s1 =	rddreg [dreg:$0x1];
	p0 =	sne.s32 s2, $0x0  }
0x122: {  	s3 =	rddreg [dreg:$0x2];
	[bflag:$0x3] =	sbarrier.arrive $0xFFFF;
	s2 =	simm.s32 @!p0 $0x1C05  }
0x123: {  	[timem:s3], [sflag:s2] =	dma.local @!p0 [hbm:s0], s1  }
0x124: {  	s0 =	simm.s32 @!p0 $0x5  }
0x125: {  	_ =	swait.ge @!p0 [sflag:s0], s1  }
0x126: {  	s1 =	ssub.s32 @!p0 $0x0, s1;
	[sflag:s0] =	ssyncset.done @!p0 $0x0  }
0x127: {  	[sflag:s0] =	ssyncadd.s32 @!p0 s1  }
0x128: {  	[bflag:$0x3] =	sbarrier.arrive $0xFFFF  }
0x129: {  	_ =	shalt  }

</sc_bundles>
